<compile_context>
chip_gen: v7x
topology: tpu7x:2x2x1
jax: 0.10.2.dev20260603
libtpu: 0.0.44.dev20260713+nightly
codegen_flags: <defaults>
</compile_context>

<pallas_src>
import functools

import jax
import jax.numpy as jnp
from jax import lax
from jax.experimental import pallas as pl
from jax.experimental.pallas import tpu as pltpu
from jax.experimental.pallas import tpu_sc as plsc

_THR = -20.0
_RANK_FIRST = 1996.0
_B = 16
_L = 2048
_CHUNK = 128
_NCH = _L // _CHUNK
_COLS = _NCH * _B
_IDENT = 0b11100100


_GATHER_DNUMS = lax.GatherDimensionNumbers(
    offset_dims=(), collapsed_slice_dims=(0,), start_index_map=(0,))


def _take16(x, idx):
    return lax.gather(x, idx[:, None], _GATHER_DNUMS, slice_sizes=(1,),
                      mode=lax.GatherScatterMode.PROMISE_IN_BOUNDS)


def _compose(tb, ta):
    res = jnp.zeros_like(ta)
    for i in range(4):
        v = (ta >> (2 * i)) & 3
        o = (tb >> (2 * v)) & 3
        res = res | (o << (2 * i))
    return res


def _shift_pos(x, k, fill):
    wrap = x[_CHUNK - k:, :]
    wrap = jnp.concatenate(
        [jnp.full((k, _B), fill, x.dtype), wrap[:, :-_B]], axis=1)
    return jnp.concatenate([wrap, x[:_CHUNK - k, :]], axis=0)


def _tc_transitions(ids_ref, m_ref, t_out_ref):
    ids = ids_ref[...]
    m = m_ref[...]
    keep = m == 1
    a = (-1.0 * jnp.log(ids.astype(jnp.float32) + _RANK_FIRST)) * keep

    prev = a[0:1]
    rows = [prev]
    for p in range(1, _CHUNK):
        prev = prev + a[p:p + 1]
        rows.append(prev)
    inner = jnp.concatenate(rows, axis=0)
    tot = inner[_CHUNK - 1:_CHUNK]
    acc = jnp.zeros((1, _B), jnp.float32)
    pieces = [acc]
    for c in range(1, _NCH):
        acc = acc + tot[:, (c - 1) * _B:c * _B]
        pieces.append(acc)
    carry = jnp.concatenate(pieces, axis=1)
    sums = inner + carry

    c1 = (sums - _shift_pos(sums, 1, 0.0)) < _THR
    c2 = (sums - _shift_pos(sums, 2, 0.0)) < _THR
    c3 = (sums - _shift_pos(sums, 3, 0.0)) < _THR
    mj = keep
    mjm1 = _shift_pos(m, 1, 0) == 1
    nmj = ~mj
    g01 = (nmj | ~mjm1 | c1).astype(jnp.int32)
    g10 = (nmj | c2).astype(jnp.int32)
    g00 = (nmj | c3).astype(jnp.int32)
    T = (g00 | ((g01 | 2) << 2) | (g10 << 4) | ((g01 | 2) << 6))

    prow = jax.lax.broadcasted_iota(jnp.int32, T.shape, 0)
    pcol = jax.lax.broadcasted_iota(jnp.int32, T.shape, 1)
    at0 = (prow == 0) & (pcol < _B)
    t_out_ref[...] = jnp.where(at0, _IDENT, T)


@functools.partial(
    pl.kernel,
    mesh=plsc.VectorSubcoreMesh(core_axis_name="c", subcore_axis_name="s"),
    out_type=jax.ShapeDtypeStruct((_B, _L), jnp.int32),
    scratch_types=[
        pltpu.VMEM((_L,), jnp.int32),
        pltpu.VMEM((_L,), jnp.int32),
    ],
)
def _sc_scan(t_hbm, out_hbm, t_vmem, o_vmem):
    wid = lax.axis_index("s") * 2 + lax.axis_index("c")

    @pl.when(wid < _B)
    def _():
        pltpu.sync_copy(t_hbm.at[wid], t_vmem)
        lane = lax.iota(jnp.int32, 16)
        idx15 = jnp.full((16,), 15, jnp.int32)

        @plsc.parallel_loop(0, _L // 16, carry=jnp.ones((16,), jnp.int32),
                            unroll=4)
        def _scan(v, carry):
            P = t_vmem[pl.ds(v * 16, 16)]
            for d in (1, 2, 4, 8):
                sh = _take16(P, jnp.maximum(lane - d, 0))
                sh = jnp.where(lane >= d, sh, _IDENT)
                P = _compose(P, sh)
            st = (P >> (2 * carry)) & 3
            o_vmem[pl.ds(v * 16, 16)] = st & 1
            return _take16(st, idx15)

        del _scan
        pltpu.sync_copy(o_vmem, out_hbm.at[wid])


def kernel(inp, padding_mask, regular_tokens_mask, token_ids):
    del inp, padding_mask
    ids_t = token_ids.reshape(_B, _NCH, _CHUNK).transpose(2, 1, 0).reshape(_CHUNK, _COLS)
    m_t = regular_tokens_mask.reshape(_B, _NCH, _CHUNK).transpose(2, 1, 0).reshape(_CHUNK, _COLS)
    t_packed = pl.pallas_call(
        _tc_transitions,
        out_shape=jax.ShapeDtypeStruct((_CHUNK, _COLS), jnp.int32),
    )(ids_t, m_t)
    t_rows = t_packed.reshape(_CHUNK, _NCH, _B).transpose(2, 1, 0).reshape(_B, _L)
    return _sc_scan(t_rows)

# --- scband reference (transcript-rebuilt; emitter-appended) ---
"""Pipeline reference for scband-freq-chunker-89739046683183 (READ-ONLY COPY).

The authoritative reference and input builder live on the scoring server;
editing this copy changes nothing except your own understanding.
"""

import jax, jax.numpy as jnp
import numpy as np

ALPHA = 1.0
LOG_THRESHOLD = -20.0
RANK_FIRST = 1996


def log_zipf_law(token_ids, rank_first=1996, alpha=1.0):
    # Zipf-law approximation of token self-information: log p(token) ~ -alpha*log(rank)
    # token_ids are used directly as ranks, offset by rank_first.
    return -alpha * jnp.log(token_ids.astype(jnp.float32) + float(rank_first))


def _starts_one(sums, m, thr):
    # Sequential greedy chunking for one sequence.
    # A new chunk starts at position j (j>=1) iff, with `left` being the start of the
    # current chunk: m[left]==0 (left was a single-token non-kept chunk), or the
    # accumulated log-likelihood since left drops below thr, or m[j]==0.
    L = sums.shape[0]

    def body(carry, j):
        left_s, m_left = carry
        new_start = (~m_left) | ((sums[j] - left_s) < thr) | (~m[j])
        left_s = jnp.where(new_start, sums[j], left_s)
        m_left = jnp.where(new_start, m[j], m_left)
        return (left_s, m_left), new_start

    (_, _), starts_tail = jax.lax.scan(body, (sums[0], m[0]), jnp.arange(1, L))
    return jnp.concatenate([jnp.ones((1,), dtype=bool), starts_tail])


def setup_inputs(seed: int = 0):
    key = jax.random.key(seed)
    k1, k2, k3, k4 = jax.random.split(key, 4)
    B, L, D = 16, 2048, 1024
    inp = jax.random.normal(k1, (B, L, D), dtype=jnp.float32)
    padding_mask = jax.random.randint(k2, (B, L), 0, 2).astype(jnp.int32)
    regular_tokens_mask = jax.random.randint(k3, (B, L), 0, 2).astype(jnp.int32)
    token_ids = jax.random.randint(k4, (B, L), 0, 30000).astype(jnp.int32)
    return {"inp": inp, "padding_mask": padding_mask,
            "regular_tokens_mask": regular_tokens_mask, "token_ids": token_ids}


def reference(inp, padding_mask, regular_tokens_mask, token_ids):
    # mask_special_tokens=True -> keep_mask from regular_tokens_mask
    keep_mask = (regular_tokens_mask == 1)
    token_log_likelihoods = log_zipf_law(token_ids, RANK_FIRST, ALPHA) * keep_mask
    sums = jnp.cumsum(token_log_likelihoods, axis=-1)
    starts = jax.vmap(lambda s, m: _starts_one(s, m, LOG_THRESHOLD))(sums, keep_mask)
    # Arrayified output: 1 at positions where a new chunk begins; this encodes
    # the same information as the original list-of-tuples indices_to_compact.
    return starts.astype(jnp.int32)

if __name__ == "__main__":
    import jax
    _d = setup_inputs()
    print(jax.jit(kernel)(*tuple(_d.values())))

</pallas_src>

<mosaic_0001>
#map = affine_map<(d0, d1) -> (0, 0)>
module attributes {stable_mosaic.version = 14 : i64} {
  func.func @_sc_scan(%arg0: i32, %arg1: i32, %arg2: memref<16x2048xi32, #tpu.memory_space<hbm>>, %arg3: memref<16x2048xi32, #tpu.memory_space<hbm>>, %arg4: memref<2048xi32, #tpu.memory_space<vmem>>, %arg5: memref<2048xi32, #tpu.memory_space<vmem>>) attributes {dimension_semantics = [#tpu.dimension_semantics<core_parallel>, #tpu.dimension_semantics<subcore_parallel>], iteration_bounds = array<i64: 2, 16>, scalar_prefetch = 0 : i64, scratch_operands = 2 : i64, tpu.core_type = #tpu.core_type<sc_vector_subcore>, window_params = [{transform_indices = #map}, {transform_indices = #map}]} {
    %mul3A = arith.constant 2 : i32
    %mul3A_0 = arith.muli %arg1, %mul3A : i32
    %add3A = arith.addi %mul3A_0, %arg0 : i32
    %lt3A = arith.constant 16 : i32
    %lt3A_1 = arith.cmpi slt, %add3A, %lt3A : i32
    %convert_element_type3A = arith.extui %lt3A_1 : i1 to i32
    %cond3A = arith.constant 0 : i32
    %cond3A_2 = arith.cmpi ne, %convert_element_type3A, %cond3A : i32
    scf.if %cond3A_2 {
      "tpu.region"() ({
        %run_scoped3A = tpu.sem_alloc : memref<!tpu.dma_semaphore, #tpu.memory_space<semaphore_mem>>
        %dma_start3A = arith.constant 0 : i32
        %dma_start3A_9 = tpu.memref_slice %arg2[%add3A, %dma_start3A] : memref<16x2048xi32, #tpu.memory_space<hbm>> -> memref<1x2048xi32, #tpu.memory_space<hbm>>
        %dma_start3A_10 = tpu.memref_squeeze %dma_start3A_9 : memref<1x2048xi32, #tpu.memory_space<hbm>> -> memref<2048xi32, #tpu.memory_space<hbm>>
        %dma_start3A_11 = arith.constant 0 : i32
        %dma_start3A_12 = tpu.memref_slice %arg2[%add3A, %dma_start3A_11] : memref<16x2048xi32, #tpu.memory_space<hbm>> -> memref<1x2048xi32, #tpu.memory_space<hbm>>
        %dma_start3A_13 = tpu.memref_squeeze %dma_start3A_12 : memref<1x2048xi32, #tpu.memory_space<hbm>> -> memref<2048xi32, #tpu.memory_space<hbm>>
        tpu.enqueue_dma source(%dma_start3A_13 : memref<2048xi32, #tpu.memory_space<hbm>>) target(%arg4 : memref<2048xi32, #tpu.memory_space<vmem>>) target_semaphore(%run_scoped3A : memref<!tpu.dma_semaphore, #tpu.memory_space<semaphore_mem>>)
        %dma_wait3A = arith.constant 0 : i32
        %dma_wait3A_14 = tpu.memref_slice %arg2[%add3A, %dma_wait3A] : memref<16x2048xi32, #tpu.memory_space<hbm>> -> memref<1x2048xi32, #tpu.memory_space<hbm>>
        %dma_wait3A_15 = tpu.memref_squeeze %dma_wait3A_14 : memref<1x2048xi32, #tpu.memory_space<hbm>> -> memref<2048xi32, #tpu.memory_space<hbm>>
        %dma_wait3A_16 = arith.constant 0 : i32
        %dma_wait3A_17 = tpu.memref_slice %arg2[%add3A, %dma_wait3A_16] : memref<16x2048xi32, #tpu.memory_space<hbm>> -> memref<1x2048xi32, #tpu.memory_space<hbm>>
        %dma_wait3A_18 = tpu.memref_squeeze %dma_wait3A_17 : memref<1x2048xi32, #tpu.memory_space<hbm>> -> memref<2048xi32, #tpu.memory_space<hbm>>
        tpu.wait_dma2 semaphore(%run_scoped3A : memref<!tpu.dma_semaphore, #tpu.memory_space<semaphore_mem>>) src(%dma_wait3A_18 : memref<2048xi32, #tpu.memory_space<hbm>>) dst(%arg4 : memref<2048xi32, #tpu.memory_space<vmem>>)
        tpu.yield
      }) : () -> ()
      %iota3A = tpu.iota {dimensions = array<i32: 0>} : vector<16xi32>
      %broadcast_in_dim3A = arith.constant 15 : i32
      %broadcast_in_dim3A_3 = vector.broadcast %broadcast_in_dim3A : i32 to vector<16xi32>
      %broadcast_in_dim3A_4 = arith.constant 1 : i32
      %broadcast_in_dim3A_5 = vector.broadcast %broadcast_in_dim3A_4 : i32 to vector<16xi32>
      %parallel_loop3A = arith.constant 0 : i32
      %parallel_loop3A_6 = arith.constant 128 : i32
      %parallel_loop3A_7 = arith.constant 1 : i32
      %parallel_loop3A_8 = scf.for %parallel_loop3A_9 = %parallel_loop3A to %parallel_loop3A_6 step %parallel_loop3A_7 iter_args(%parallel_loop3A_10 = %broadcast_in_dim3A_5) -> (vector<16xi32>)  : i32 {
        %parallel_loop3A_11 = arith.constant 16 : i32
        %parallel_loop3A_12 = arith.muli %parallel_loop3A_9, %parallel_loop3A_11 : i32
        %parallel_loop3A_13 = arith.index_cast %parallel_loop3A_12 : i32 to index
        %parallel_loop3A_14 = tpu.vector_load %arg4[%parallel_loop3A_13] {strides = array<i32>} : memref<2048xi32, #tpu.memory_space<vmem>>, vector<16xi32>,
        %parallel_loop3A_15 = vector.shape_cast %parallel_loop3A_14 : vector<16xi32> to vector<16xi32>
        %parallel_loop3A_16 = arith.constant 1 : i32
        %parallel_loop3A_17 = vector.broadcast %parallel_loop3A_16 : i32 to vector<16xi32>
        %parallel_loop3A_18 = arith.subi %iota3A, %parallel_loop3A_17 : vector<16xi32>
        %parallel_loop3A_19 = arith.constant 0 : i32
        %parallel_loop3A_20 = vector.broadcast %parallel_loop3A_19 : i32 to vector<16xi32>
        %parallel_loop3A_21 = arith.maxsi %parallel_loop3A_18, %parallel_loop3A_20 : vector<16xi32>
        %parallel_loop3A_22 = vector.shape_cast %parallel_loop3A_21 : vector<16xi32> to vector<16x1xi32>
        %parallel_loop3A_23 = vector.shape_cast %parallel_loop3A_22 : vector<16x1xi32> to vector<16xi32>
        %parallel_loop3A_24 = tpu.dynamic_gather %parallel_loop3A_15[%parallel_loop3A_23] in [0] : vector<16xi32>, vector<16xi32> -> vector<16xi32>
        %parallel_loop3A_25 = arith.constant 1 : i32
        %parallel_loop3A_26 = vector.broadcast %parallel_loop3A_25 : i32 to vector<16xi32>
        %parallel_loop3A_27 = arith.cmpi sge, %iota3A, %parallel_loop3A_26 : vector<16xi32>
        %parallel_loop3A_28 = arith.constant 228 : i32
        %parallel_loop3A_29 = vector.broadcast %parallel_loop3A_28 : i32 to vector<16xi32>
        %parallel_loop3A_30 = arith.select %parallel_loop3A_27, %parallel_loop3A_24, %parallel_loop3A_29 : vector<16xi1>, vector<16xi32>
        %parallel_loop3A_31 = arith.constant 0 : i32
        %parallel_loop3A_32 = vector.broadcast %parallel_loop3A_31 : i32 to vector<16xi32>
        %parallel_loop3A_33 = arith.constant 0 : i32
        %parallel_loop3A_34 = vector.broadcast %parallel_loop3A_33 : i32 to vector<16xi32>
        %parallel_loop3A_35 = arith.shrsi %parallel_loop3A_30, %parallel_loop3A_34 : vector<16xi32>
        %parallel_loop3A_36 = arith.constant 3 : i32
        %parallel_loop3A_37 = vector.broadcast %parallel_loop3A_36 : i32 to vector<16xi32>
        %parallel_loop3A_38 = arith.andi %parallel_loop3A_35, %parallel_loop3A_37 : vector<16xi32>
        %parallel_loop3A_39 = arith.constant 2 : i32
        %parallel_loop3A_40 = vector.broadcast %parallel_loop3A_39 : i32 to vector<16xi32>
        %parallel_loop3A_41 = arith.muli %parallel_loop3A_40, %parallel_loop3A_38 : vector<16xi32>
        %parallel_loop3A_42 = arith.shrsi %parallel_loop3A_15, %parallel_loop3A_41 : vector<16xi32>
        %parallel_loop3A_43 = arith.constant 3 : i32
        %parallel_loop3A_44 = vector.broadcast %parallel_loop3A_43 : i32 to vector<16xi32>
        %parallel_loop3A_45 = arith.andi %parallel_loop3A_42, %parallel_loop3A_44 : vector<16xi32>
        %parallel_loop3A_46 = arith.constant 0 : i32
        %parallel_loop3A_47 = vector.broadcast %parallel_loop3A_46 : i32 to vector<16xi32>
        %parallel_loop3A_48 = arith.shli %parallel_loop3A_45, %parallel_loop3A_47 : vector<16xi32>
        %parallel_loop3A_49 = arith.ori %parallel_loop3A_32, %parallel_loop3A_48 : vector<16xi32>
        %parallel_loop3A_50 = arith.constant 2 : i32
        %parallel_loop3A_51 = vector.broadcast %parallel_loop3A_50 : i32 to vector<16xi32>
        %parallel_loop3A_52 = arith.shrsi %parallel_loop3A_30, %parallel_loop3A_51 : vector<16xi32>
        %parallel_loop3A_53 = arith.constant 3 : i32
        %parallel_loop3A_54 = vector.broadcast %parallel_loop3A_53 : i32 to vector<16xi32>
        %parallel_loop3A_55 = arith.andi %parallel_loop3A_52, %parallel_loop3A_54 : vector<16xi32>
        %parallel_loop3A_56 = arith.constant 2 : i32
        %parallel_loop3A_57 = vector.broadcast %parallel_loop3A_56 : i32 to vector<16xi32>
        %parallel_loop3A_58 = arith.muli %parallel_loop3A_57, %parallel_loop3A_55 : vector<16xi32>
        %parallel_loop3A_59 = arith.shrsi %parallel_loop3A_15, %parallel_loop3A_58 : vector<16xi32>
        %parallel_loop3A_60 = arith.constant 3 : i32
        %parallel_loop3A_61 = vector.broadcast %parallel_loop3A_60 : i32 to vector<16xi32>
        %parallel_loop3A_62 = arith.andi %parallel_loop3A_59, %parallel_loop3A_61 : vector<16xi32>
        %parallel_loop3A_63 = arith.constant 2 : i32
        %parallel_loop3A_64 = vector.broadcast %parallel_loop3A_63 : i32 to vector<16xi32>
        %parallel_loop3A_65 = arith.shli %parallel_loop3A_62, %parallel_loop3A_64 : vector<16xi32>
        %parallel_loop3A_66 = arith.ori %parallel_loop3A_49, %parallel_loop3A_65 : vector<16xi32>
        %parallel_loop3A_67 = arith.constant 4 : i32
        %parallel_loop3A_68 = vector.broadcast %parallel_loop3A_67 : i32 to vector<16xi32>
        %parallel_loop3A_69 = arith.shrsi %parallel_loop3A_30, %parallel_loop3A_68 : vector<16xi32>
        %parallel_loop3A_70 = arith.constant 3 : i32
        %parallel_loop3A_71 = vector.broadcast %parallel_loop3A_70 : i32 to vector<16xi32>
        %parallel_loop3A_72 = arith.andi %parallel_loop3A_69, %parallel_loop3A_71 : vector<16xi32>
        %parallel_loop3A_73 = arith.constant 2 : i32
        %parallel_loop3A_74 = vector.broadcast %parallel_loop3A_73 : i32 to vector<16xi32>
        %parallel_loop3A_75 = arith.muli %parallel_loop3A_74, %parallel_loop3A_72 : vector<16xi32>
        %parallel_loop3A_76 = arith.shrsi %parallel_loop3A_15, %parallel_loop3A_75 : vector<16xi32>
        %parallel_loop3A_77 = arith.constant 3 : i32
        %parallel_loop3A_78 = vector.broadcast %parallel_loop3A_77 : i32 to vector<16xi32>
        %parallel_loop3A_79 = arith.andi %parallel_loop3A_76, %parallel_loop3A_78 : vector<16xi32>
        %parallel_loop3A_80 = arith.constant 4 : i32
        %parallel_loop3A_81 = vector.broadcast %parallel_loop3A_80 : i32 to vector<16xi32>
        %parallel_loop3A_82 = arith.shli %parallel_loop3A_79, %parallel_loop3A_81 : vector<16xi32>
        %parallel_loop3A_83 = arith.ori %parallel_loop3A_66, %parallel_loop3A_82 : vector<16xi32>
        %parallel_loop3A_84 = arith.constant 6 : i32
        %parallel_loop3A_85 = vector.broadcast %parallel_loop3A_84 : i32 to vector<16xi32>
        %parallel_loop3A_86 = arith.shrsi %parallel_loop3A_30, %parallel_loop3A_85 : vector<16xi32>
        %parallel_loop3A_87 = arith.constant 3 : i32
        %parallel_loop3A_88 = vector.broadcast %parallel_loop3A_87 : i32 to vector<16xi32>
        %parallel_loop3A_89 = arith.andi %parallel_loop3A_86, %parallel_loop3A_88 : vector<16xi32>
        %parallel_loop3A_90 = arith.constant 2 : i32
        %parallel_loop3A_91 = vector.broadcast %parallel_loop3A_90 : i32 to vector<16xi32>
        %parallel_loop3A_92 = arith.muli %parallel_loop3A_91, %parallel_loop3A_89 : vector<16xi32>
        %parallel_loop3A_93 = arith.shrsi %parallel_loop3A_15, %parallel_loop3A_92 : vector<16xi32>
        %parallel_loop3A_94 = arith.constant 3 : i32
        %parallel_loop3A_95 = vector.broadcast %parallel_loop3A_94 : i32 to vector<16xi32>
        %parallel_loop3A_96 = arith.andi %parallel_loop3A_93, %parallel_loop3A_95 : vector<16xi32>
        %parallel_loop3A_97 = arith.constant 6 : i32
        %parallel_loop3A_98 = vector.broadcast %parallel_loop3A_97 : i32 to vector<16xi32>
        %parallel_loop3A_99 = arith.shli %parallel_loop3A_96, %parallel_loop3A_98 : vector<16xi32>
        %parallel_loop3A_100 = arith.ori %parallel_loop3A_83, %parallel_loop3A_99 : vector<16xi32>
        %parallel_loop3A_101 = arith.constant 2 : i32
        %parallel_loop3A_102 = vector.broadcast %parallel_loop3A_101 : i32 to vector<16xi32>
        %parallel_loop3A_103 = arith.subi %iota3A, %parallel_loop3A_102 : vector<16xi32>
        %parallel_loop3A_104 = arith.constant 0 : i32
        %parallel_loop3A_105 = vector.broadcast %parallel_loop3A_104 : i32 to vector<16xi32>
        %parallel_loop3A_106 = arith.maxsi %parallel_loop3A_103, %parallel_loop3A_105 : vector<16xi32>
        %parallel_loop3A_107 = vector.shape_cast %parallel_loop3A_106 : vector<16xi32> to vector<16x1xi32>
        %parallel_loop3A_108 = vector.shape_cast %parallel_loop3A_107 : vector<16x1xi32> to vector<16xi32>
        %parallel_loop3A_109 = tpu.dynamic_gather %parallel_loop3A_100[%parallel_loop3A_108] in [0] : vector<16xi32>, vector<16xi32> -> vector<16xi32>
        %parallel_loop3A_110 = arith.constant 2 : i32
        %parallel_loop3A_111 = vector.broadcast %parallel_loop3A_110 : i32 to vector<16xi32>
        %parallel_loop3A_112 = arith.cmpi sge, %iota3A, %parallel_loop3A_111 : vector<16xi32>
        %parallel_loop3A_113 = arith.constant 228 : i32
        %parallel_loop3A_114 = vector.broadcast %parallel_loop3A_113 : i32 to vector<16xi32>
        %parallel_loop3A_115 = arith.select %parallel_loop3A_112, %parallel_loop3A_109, %parallel_loop3A_114 : vector<16xi1>, vector<16xi32>
        %parallel_loop3A_116 = arith.constant 0 : i32
        %parallel_loop3A_117 = vector.broadcast %parallel_loop3A_116 : i32 to vector<16xi32>
        %parallel_loop3A_118 = arith.constant 0 : i32
        %parallel_loop3A_119 = vector.broadcast %parallel_loop3A_118 : i32 to vector<16xi32>
        %parallel_loop3A_120 = arith.shrsi %parallel_loop3A_115, %parallel_loop3A_119 : vector<16xi32>
        %parallel_loop3A_121 = arith.constant 3 : i32
        %parallel_loop3A_122 = vector.broadcast %parallel_loop3A_121 : i32 to vector<16xi32>
        %parallel_loop3A_123 = arith.andi %parallel_loop3A_120, %parallel_loop3A_122 : vector<16xi32>
        %parallel_loop3A_124 = arith.constant 2 : i32
        %parallel_loop3A_125 = vector.broadcast %parallel_loop3A_124 : i32 to vector<16xi32>
        %parallel_loop3A_126 = arith.muli %parallel_loop3A_125, %parallel_loop3A_123 : vector<16xi32>
        %parallel_loop3A_127 = arith.shrsi %parallel_loop3A_100, %parallel_loop3A_126 : vector<16xi32>
        %parallel_loop3A_128 = arith.constant 3 : i32
        %parallel_loop3A_129 = vector.broadcast %parallel_loop3A_128 : i32 to vector<16xi32>
        %parallel_loop3A_130 = arith.andi %parallel_loop3A_127, %parallel_loop3A_129 : vector<16xi32>
        %parallel_loop3A_131 = arith.constant 0 : i32
        %parallel_loop3A_132 = vector.broadcast %parallel_loop3A_131 : i32 to vector<16xi32>
        %parallel_loop3A_133 = arith.shli %parallel_loop3A_130, %parallel_loop3A_132 : vector<16xi32>
        %parallel_loop3A_134 = arith.ori %parallel_loop3A_117, %parallel_loop3A_133 : vector<16xi32>
        %parallel_loop3A_135 = arith.constant 2 : i32
        %parallel_loop3A_136 = vector.broadcast %parallel_loop3A_135 : i32 to vector<16xi32>
        %parallel_loop3A_137 = arith.shrsi %parallel_loop3A_115, %parallel_loop3A_136 : vector<16xi32>
        %parallel_loop3A_138 = arith.constant 3 : i32
        %parallel_loop3A_139 = vector.broadcast %parallel_loop3A_138 : i32 to vector<16xi32>
        %parallel_loop3A_140 = arith.andi %parallel_loop3A_137, %parallel_loop3A_139 : vector<16xi32>
        %parallel_loop3A_141 = arith.constant 2 : i32
        %parallel_loop3A_142 = vector.broadcast %parallel_loop3A_141 : i32 to vector<16xi32>
        %parallel_loop3A_143 = arith.muli %parallel_loop3A_142, %parallel_loop3A_140 : vector<16xi32>
        %parallel_loop3A_144 = arith.shrsi %parallel_loop3A_100, %parallel_loop3A_143 : vector<16xi32>
        %parallel_loop3A_145 = arith.constant 3 : i32
        %parallel_loop3A_146 = vector.broadcast %parallel_loop3A_145 : i32 to vector<16xi32>
        %parallel_loop3A_147 = arith.andi %parallel_loop3A_144, %parallel_loop3A_146 : vector<16xi32>
        %parallel_loop3A_148 = arith.constant 2 : i32
        %parallel_loop3A_149 = vector.broadcast %parallel_loop3A_148 : i32 to vector<16xi32>
        %parallel_loop3A_150 = arith.shli %parallel_loop3A_147, %parallel_loop3A_149 : vector<16xi32>
        %parallel_loop3A_151 = arith.ori %parallel_loop3A_134, %parallel_loop3A_150 : vector<16xi32>
        %parallel_loop3A_152 = arith.constant 4 : i32
        %parallel_loop3A_153 = vector.broadcast %parallel_loop3A_152 : i32 to vector<16xi32>
        %parallel_loop3A_154 = arith.shrsi %parallel_loop3A_115, %parallel_loop3A_153 : vector<16xi32>
        %parallel_loop3A_155 = arith.constant 3 : i32
        %parallel_loop3A_156 = vector.broadcast %parallel_loop3A_155 : i32 to vector<16xi32>
        %parallel_loop3A_157 = arith.andi %parallel_loop3A_154, %parallel_loop3A_156 : vector<16xi32>
        %parallel_loop3A_158 = arith.constant 2 : i32
        %parallel_loop3A_159 = vector.broadcast %parallel_loop3A_158 : i32 to vector<16xi32>
        %parallel_loop3A_160 = arith.muli %parallel_loop3A_159, %parallel_loop3A_157 : vector<16xi32>
        %parallel_loop3A_161 = arith.shrsi %parallel_loop3A_100, %parallel_loop3A_160 : vector<16xi32>
        %parallel_loop3A_162 = arith.constant 3 : i32
        %parallel_loop3A_163 = vector.broadcast %parallel_loop3A_162 : i32 to vector<16xi32>
        %parallel_loop3A_164 = arith.andi %parallel_loop3A_161, %parallel_loop3A_163 : vector<16xi32>
        %parallel_loop3A_165 = arith.constant 4 : i32
        %parallel_loop3A_166 = vector.broadcast %parallel_loop3A_165 : i32 to vector<16xi32>
        %parallel_loop3A_167 = arith.shli %parallel_loop3A_164, %parallel_loop3A_166 : vector<16xi32>
        %parallel_loop3A_168 = arith.ori %parallel_loop3A_151, %parallel_loop3A_167 : vector<16xi32>
        %parallel_loop3A_169 = arith.constant 6 : i32
        %parallel_loop3A_170 = vector.broadcast %parallel_loop3A_169 : i32 to vector<16xi32>
        %parallel_loop3A_171 = arith.shrsi %parallel_loop3A_115, %parallel_loop3A_170 : vector<16xi32>
        %parallel_loop3A_172 = arith.constant 3 : i32
        %parallel_loop3A_173 = vector.broadcast %parallel_loop3A_172 : i32 to vector<16xi32>
        %parallel_loop3A_174 = arith.andi %parallel_loop3A_171, %parallel_loop3A_173 : vector<16xi32>
        %parallel_loop3A_175 = arith.constant 2 : i32
        %parallel_loop3A_176 = vector.broadcast %parallel_loop3A_175 : i32 to vector<16xi32>
        %parallel_loop3A_177 = arith.muli %parallel_loop3A_176, %parallel_loop3A_174 : vector<16xi32>
        %parallel_loop3A_178 = arith.shrsi %parallel_loop3A_100, %parallel_loop3A_177 : vector<16xi32>
        %parallel_loop3A_179 = arith.constant 3 : i32
        %parallel_loop3A_180 = vector.broadcast %parallel_loop3A_179 : i32 to vector<16xi32>
        %parallel_loop3A_181 = arith.andi %parallel_loop3A_178, %parallel_loop3A_180 : vector<16xi32>
        %parallel_loop3A_182 = arith.constant 6 : i32
        %parallel_loop3A_183 = vector.broadcast %parallel_loop3A_182 : i32 to vector<16xi32>
        %parallel_loop3A_184 = arith.shli %parallel_loop3A_181, %parallel_loop3A_183 : vector<16xi32>
        %parallel_loop3A_185 = arith.ori %parallel_loop3A_168, %parallel_loop3A_184 : vector<16xi32>
        %parallel_loop3A_186 = arith.constant 4 : i32
        %parallel_loop3A_187 = vector.broadcast %parallel_loop3A_186 : i32 to vector<16xi32>
        %parallel_loop3A_188 = arith.subi %iota3A, %parallel_loop3A_187 : vector<16xi32>
        %parallel_loop3A_189 = arith.constant 0 : i32
        %parallel_loop3A_190 = vector.broadcast %parallel_loop3A_189 : i32 to vector<16xi32>
        %parallel_loop3A_191 = arith.maxsi %parallel_loop3A_188, %parallel_loop3A_190 : vector<16xi32>
        %parallel_loop3A_192 = vector.shape_cast %parallel_loop3A_191 : vector<16xi32> to vector<16x1xi32>
        %parallel_loop3A_193 = vector.shape_cast %parallel_loop3A_192 : vector<16x1xi32> to vector<16xi32>
        %parallel_loop3A_194 = tpu.dynamic_gather %parallel_loop3A_185[%parallel_loop3A_193] in [0] : vector<16xi32>, vector<16xi32> -> vector<16xi32>
        %parallel_loop3A_195 = arith.constant 4 : i32
        %parallel_loop3A_196 = vector.broadcast %parallel_loop3A_195 : i32 to vector<16xi32>
        %parallel_loop3A_197 = arith.cmpi sge, %iota3A, %parallel_loop3A_196 : vector<16xi32>
        %parallel_loop3A_198 = arith.constant 228 : i32
        %parallel_loop3A_199 = vector.broadcast %parallel_loop3A_198 : i32 to vector<16xi32>
        %parallel_loop3A_200 = arith.select %parallel_loop3A_197, %parallel_loop3A_194, %parallel_loop3A_199 : vector<16xi1>, vector<16xi32>
        %parallel_loop3A_201 = arith.constant 0 : i32
        %parallel_loop3A_202 = vector.broadcast %parallel_loop3A_201 : i32 to vector<16xi32>
        %parallel_loop3A_203 = arith.constant 0 : i32
        %parallel_loop3A_204 = vector.broadcast %parallel_loop3A_203 : i32 to vector<16xi32>
        %parallel_loop3A_205 = arith.shrsi %parallel_loop3A_200, %parallel_loop3A_204 : vector<16xi32>
        %parallel_loop3A_206 = arith.constant 3 : i32
        %parallel_loop3A_207 = vector.broadcast %parallel_loop3A_206 : i32 to vector<16xi32>
        %parallel_loop3A_208 = arith.andi %parallel_loop3A_205, %parallel_loop3A_207 : vector<16xi32>
        %parallel_loop3A_209 = arith.constant 2 : i32
        %parallel_loop3A_210 = vector.broadcast %parallel_loop3A_209 : i32 to vector<16xi32>
        %parallel_loop3A_211 = arith.muli %parallel_loop3A_210, %parallel_loop3A_208 : vector<16xi32>
        %parallel_loop3A_212 = arith.shrsi %parallel_loop3A_185, %parallel_loop3A_211 : vector<16xi32>
        %parallel_loop3A_213 = arith.constant 3 : i32
        %parallel_loop3A_214 = vector.broadcast %parallel_loop3A_213 : i32 to vector<16xi32>
        %parallel_loop3A_215 = arith.andi %parallel_loop3A_212, %parallel_loop3A_214 : vector<16xi32>
        %parallel_loop3A_216 = arith.constant 0 : i32
        %parallel_loop3A_217 = vector.broadcast %parallel_loop3A_216 : i32 to vector<16xi32>
        %parallel_loop3A_218 = arith.shli %parallel_loop3A_215, %parallel_loop3A_217 : vector<16xi32>
        %parallel_loop3A_219 = arith.ori %parallel_loop3A_202, %parallel_loop3A_218 : vector<16xi32>
        %parallel_loop3A_220 = arith.constant 2 : i32
        %parallel_loop3A_221 = vector.broadcast %parallel_loop3A_220 : i32 to vector<16xi32>
        %parallel_loop3A_222 = arith.shrsi %parallel_loop3A_200, %parallel_loop3A_221 : vector<16xi32>
        %parallel_loop3A_223 = arith.constant 3 : i32
        %parallel_loop3A_224 = vector.broadcast %parallel_loop3A_223 : i32 to vector<16xi32>
        %parallel_loop3A_225 = arith.andi %parallel_loop3A_222, %parallel_loop3A_224 : vector<16xi32>
        %parallel_loop3A_226 = arith.constant 2 : i32
        %parallel_loop3A_227 = vector.broadcast %parallel_loop3A_226 : i32 to vector<16xi32>
        %parallel_loop3A_228 = arith.muli %parallel_loop3A_227, %parallel_loop3A_225 : vector<16xi32>
        %parallel_loop3A_229 = arith.shrsi %parallel_loop3A_185, %parallel_loop3A_228 : vector<16xi32>
        %parallel_loop3A_230 = arith.constant 3 : i32
        %parallel_loop3A_231 = vector.broadcast %parallel_loop3A_230 : i32 to vector<16xi32>
        %parallel_loop3A_232 = arith.andi %parallel_loop3A_229, %parallel_loop3A_231 : vector<16xi32>
        %parallel_loop3A_233 = arith.constant 2 : i32
        %parallel_loop3A_234 = vector.broadcast %parallel_loop3A_233 : i32 to vector<16xi32>
        %parallel_loop3A_235 = arith.shli %parallel_loop3A_232, %parallel_loop3A_234 : vector<16xi32>
        %parallel_loop3A_236 = arith.ori %parallel_loop3A_219, %parallel_loop3A_235 : vector<16xi32>
        %parallel_loop3A_237 = arith.constant 4 : i32
        %parallel_loop3A_238 = vector.broadcast %parallel_loop3A_237 : i32 to vector<16xi32>
        %parallel_loop3A_239 = arith.shrsi %parallel_loop3A_200, %parallel_loop3A_238 : vector<16xi32>
        %parallel_loop3A_240 = arith.constant 3 : i32
        %parallel_loop3A_241 = vector.broadcast %parallel_loop3A_240 : i32 to vector<16xi32>
        %parallel_loop3A_242 = arith.andi %parallel_loop3A_239, %parallel_loop3A_241 : vector<16xi32>
        %parallel_loop3A_243 = arith.constant 2 : i32
        %parallel_loop3A_244 = vector.broadcast %parallel_loop3A_243 : i32 to vector<16xi32>
        %parallel_loop3A_245 = arith.muli %parallel_loop3A_244, %parallel_loop3A_242 : vector<16xi32>
        %parallel_loop3A_246 = arith.shrsi %parallel_loop3A_185, %parallel_loop3A_245 : vector<16xi32>
        %parallel_loop3A_247 = arith.constant 3 : i32
        %parallel_loop3A_248 = vector.broadcast %parallel_loop3A_247 : i32 to vector<16xi32>
        %parallel_loop3A_249 = arith.andi %parallel_loop3A_246, %parallel_loop3A_248 : vector<16xi32>
        %parallel_loop3A_250 = arith.constant 4 : i32
        %parallel_loop3A_251 = vector.broadcast %parallel_loop3A_250 : i32 to vector<16xi32>
        %parallel_loop3A_252 = arith.shli %parallel_loop3A_249, %parallel_loop3A_251 : vector<16xi32>
        %parallel_loop3A_253 = arith.ori %parallel_loop3A_236, %parallel_loop3A_252 : vector<16xi32>
        %parallel_loop3A_254 = arith.constant 6 : i32
        %parallel_loop3A_255 = vector.broadcast %parallel_loop3A_254 : i32 to vector<16xi32>
        %parallel_loop3A_256 = arith.shrsi %parallel_loop3A_200, %parallel_loop3A_255 : vector<16xi32>
        %parallel_loop3A_257 = arith.constant 3 : i32
        %parallel_loop3A_258 = vector.broadcast %parallel_loop3A_257 : i32 to vector<16xi32>
        %parallel_loop3A_259 = arith.andi %parallel_loop3A_256, %parallel_loop3A_258 : vector<16xi32>
        %parallel_loop3A_260 = arith.constant 2 : i32
        %parallel_loop3A_261 = vector.broadcast %parallel_loop3A_260 : i32 to vector<16xi32>
        %parallel_loop3A_262 = arith.muli %parallel_loop3A_261, %parallel_loop3A_259 : vector<16xi32>
        %parallel_loop3A_263 = arith.shrsi %parallel_loop3A_185, %parallel_loop3A_262 : vector<16xi32>
        %parallel_loop3A_264 = arith.constant 3 : i32
        %parallel_loop3A_265 = vector.broadcast %parallel_loop3A_264 : i32 to vector<16xi32>
        %parallel_loop3A_266 = arith.andi %parallel_loop3A_263, %parallel_loop3A_265 : vector<16xi32>
        %parallel_loop3A_267 = arith.constant 6 : i32
        %parallel_loop3A_268 = vector.broadcast %parallel_loop3A_267 : i32 to vector<16xi32>
        %parallel_loop3A_269 = arith.shli %parallel_loop3A_266, %parallel_loop3A_268 : vector<16xi32>
        %parallel_loop3A_270 = arith.ori %parallel_loop3A_253, %parallel_loop3A_269 : vector<16xi32>
        %parallel_loop3A_271 = arith.constant 8 : i32
        %parallel_loop3A_272 = vector.broadcast %parallel_loop3A_271 : i32 to vector<16xi32>
        %parallel_loop3A_273 = arith.subi %iota3A, %parallel_loop3A_272 : vector<16xi32>
        %parallel_loop3A_274 = arith.constant 0 : i32
        %parallel_loop3A_275 = vector.broadcast %parallel_loop3A_274 : i32 to vector<16xi32>
        %parallel_loop3A_276 = arith.maxsi %parallel_loop3A_273, %parallel_loop3A_275 : vector<16xi32>
        %parallel_loop3A_277 = vector.shape_cast %parallel_loop3A_276 : vector<16xi32> to vector<16x1xi32>
        %parallel_loop3A_278 = vector.shape_cast %parallel_loop3A_277 : vector<16x1xi32> to vector<16xi32>
        %parallel_loop3A_279 = tpu.dynamic_gather %parallel_loop3A_270[%parallel_loop3A_278] in [0] : vector<16xi32>, vector<16xi32> -> vector<16xi32>
        %parallel_loop3A_280 = arith.constant 8 : i32
        %parallel_loop3A_281 = vector.broadcast %parallel_loop3A_280 : i32 to vector<16xi32>
        %parallel_loop3A_282 = arith.cmpi sge, %iota3A, %parallel_loop3A_281 : vector<16xi32>
        %parallel_loop3A_283 = arith.constant 228 : i32
        %parallel_loop3A_284 = vector.broadcast %parallel_loop3A_283 : i32 to vector<16xi32>
        %parallel_loop3A_285 = arith.select %parallel_loop3A_282, %parallel_loop3A_279, %parallel_loop3A_284 : vector<16xi1>, vector<16xi32>
        %parallel_loop3A_286 = arith.constant 0 : i32
        %parallel_loop3A_287 = vector.broadcast %parallel_loop3A_286 : i32 to vector<16xi32>
        %parallel_loop3A_288 = arith.constant 0 : i32
        %parallel_loop3A_289 = vector.broadcast %parallel_loop3A_288 : i32 to vector<16xi32>
        %parallel_loop3A_290 = arith.shrsi %parallel_loop3A_285, %parallel_loop3A_289 : vector<16xi32>
        %parallel_loop3A_291 = arith.constant 3 : i32
        %parallel_loop3A_292 = vector.broadcast %parallel_loop3A_291 : i32 to vector<16xi32>
        %parallel_loop3A_293 = arith.andi %parallel_loop3A_290, %parallel_loop3A_292 : vector<16xi32>
        %parallel_loop3A_294 = arith.constant 2 : i32
        %parallel_loop3A_295 = vector.broadcast %parallel_loop3A_294 : i32 to vector<16xi32>
        %parallel_loop3A_296 = arith.muli %parallel_loop3A_295, %parallel_loop3A_293 : vector<16xi32>
        %parallel_loop3A_297 = arith.shrsi %parallel_loop3A_270, %parallel_loop3A_296 : vector<16xi32>
        %parallel_loop3A_298 = arith.constant 3 : i32
        %parallel_loop3A_299 = vector.broadcast %parallel_loop3A_298 : i32 to vector<16xi32>
        %parallel_loop3A_300 = arith.andi %parallel_loop3A_297, %parallel_loop3A_299 : vector<16xi32>
        %parallel_loop3A_301 = arith.constant 0 : i32
        %parallel_loop3A_302 = vector.broadcast %parallel_loop3A_301 : i32 to vector<16xi32>
        %parallel_loop3A_303 = arith.shli %parallel_loop3A_300, %parallel_loop3A_302 : vector<16xi32>
        %parallel_loop3A_304 = arith.ori %parallel_loop3A_287, %parallel_loop3A_303 : vector<16xi32>
        %parallel_loop3A_305 = arith.constant 2 : i32
        %parallel_loop3A_306 = vector.broadcast %parallel_loop3A_305 : i32 to vector<16xi32>
        %parallel_loop3A_307 = arith.shrsi %parallel_loop3A_285, %parallel_loop3A_306 : vector<16xi32>
        %parallel_loop3A_308 = arith.constant 3 : i32
        %parallel_loop3A_309 = vector.broadcast %parallel_loop3A_308 : i32 to vector<16xi32>
        %parallel_loop3A_310 = arith.andi %parallel_loop3A_307, %parallel_loop3A_309 : vector<16xi32>
        %parallel_loop3A_311 = arith.constant 2 : i32
        %parallel_loop3A_312 = vector.broadcast %parallel_loop3A_311 : i32 to vector<16xi32>
        %parallel_loop3A_313 = arith.muli %parallel_loop3A_312, %parallel_loop3A_310 : vector<16xi32>
        %parallel_loop3A_314 = arith.shrsi %parallel_loop3A_270, %parallel_loop3A_313 : vector<16xi32>
        %parallel_loop3A_315 = arith.constant 3 : i32
        %parallel_loop3A_316 = vector.broadcast %parallel_loop3A_315 : i32 to vector<16xi32>
        %parallel_loop3A_317 = arith.andi %parallel_loop3A_314, %parallel_loop3A_316 : vector<16xi32>
        %parallel_loop3A_318 = arith.constant 2 : i32
        %parallel_loop3A_319 = vector.broadcast %parallel_loop3A_318 : i32 to vector<16xi32>
        %parallel_loop3A_320 = arith.shli %parallel_loop3A_317, %parallel_loop3A_319 : vector<16xi32>
        %parallel_loop3A_321 = arith.ori %parallel_loop3A_304, %parallel_loop3A_320 : vector<16xi32>
        %parallel_loop3A_322 = arith.constant 4 : i32
        %parallel_loop3A_323 = vector.broadcast %parallel_loop3A_322 : i32 to vector<16xi32>
        %parallel_loop3A_324 = arith.shrsi %parallel_loop3A_285, %parallel_loop3A_323 : vector<16xi32>
        %parallel_loop3A_325 = arith.constant 3 : i32
        %parallel_loop3A_326 = vector.broadcast %parallel_loop3A_325 : i32 to vector<16xi32>
        %parallel_loop3A_327 = arith.andi %parallel_loop3A_324, %parallel_loop3A_326 : vector<16xi32>
        %parallel_loop3A_328 = arith.constant 2 : i32
        %parallel_loop3A_329 = vector.broadcast %parallel_loop3A_328 : i32 to vector<16xi32>
        %parallel_loop3A_330 = arith.muli %parallel_loop3A_329, %parallel_loop3A_327 : vector<16xi32>
        %parallel_loop3A_331 = arith.shrsi %parallel_loop3A_270, %parallel_loop3A_330 : vector<16xi32>
        %parallel_loop3A_332 = arith.constant 3 : i32
        %parallel_loop3A_333 = vector.broadcast %parallel_loop3A_332 : i32 to vector<16xi32>
        %parallel_loop3A_334 = arith.andi %parallel_loop3A_331, %parallel_loop3A_333 : vector<16xi32>
        %parallel_loop3A_335 = arith.constant 4 : i32
        %parallel_loop3A_336 = vector.broadcast %parallel_loop3A_335 : i32 to vector<16xi32>
        %parallel_loop3A_337 = arith.shli %parallel_loop3A_334, %parallel_loop3A_336 : vector<16xi32>
        %parallel_loop3A_338 = arith.ori %parallel_loop3A_321, %parallel_loop3A_337 : vector<16xi32>
        %parallel_loop3A_339 = arith.constant 6 : i32
        %parallel_loop3A_340 = vector.broadcast %parallel_loop3A_339 : i32 to vector<16xi32>
        %parallel_loop3A_341 = arith.shrsi %parallel_loop3A_285, %parallel_loop3A_340 : vector<16xi32>
        %parallel_loop3A_342 = arith.constant 3 : i32
        %parallel_loop3A_343 = vector.broadcast %parallel_loop3A_342 : i32 to vector<16xi32>
        %parallel_loop3A_344 = arith.andi %parallel_loop3A_341, %parallel_loop3A_343 : vector<16xi32>
        %parallel_loop3A_345 = arith.constant 2 : i32
        %parallel_loop3A_346 = vector.broadcast %parallel_loop3A_345 : i32 to vector<16xi32>
        %parallel_loop3A_347 = arith.muli %parallel_loop3A_346, %parallel_loop3A_344 : vector<16xi32>
        %parallel_loop3A_348 = arith.shrsi %parallel_loop3A_270, %parallel_loop3A_347 : vector<16xi32>
        %parallel_loop3A_349 = arith.constant 3 : i32
        %parallel_loop3A_350 = vector.broadcast %parallel_loop3A_349 : i32 to vector<16xi32>
        %parallel_loop3A_351 = arith.andi %parallel_loop3A_348, %parallel_loop3A_350 : vector<16xi32>
        %parallel_loop3A_352 = arith.constant 6 : i32
        %parallel_loop3A_353 = vector.broadcast %parallel_loop3A_352 : i32 to vector<16xi32>
        %parallel_loop3A_354 = arith.shli %parallel_loop3A_351, %parallel_loop3A_353 : vector<16xi32>
        %parallel_loop3A_355 = arith.ori %parallel_loop3A_338, %parallel_loop3A_354 : vector<16xi32>
        %parallel_loop3A_356 = arith.constant 2 : i32
        %parallel_loop3A_357 = vector.broadcast %parallel_loop3A_356 : i32 to vector<16xi32>
        %parallel_loop3A_358 = arith.muli %parallel_loop3A_357, %parallel_loop3A_10 : vector<16xi32>
        %parallel_loop3A_359 = arith.shrsi %parallel_loop3A_355, %parallel_loop3A_358 : vector<16xi32>
        %parallel_loop3A_360 = arith.constant 3 : i32
        %parallel_loop3A_361 = vector.broadcast %parallel_loop3A_360 : i32 to vector<16xi32>
        %parallel_loop3A_362 = arith.andi %parallel_loop3A_359, %parallel_loop3A_361 : vector<16xi32>
        %parallel_loop3A_363 = arith.constant 1 : i32
        %parallel_loop3A_364 = vector.broadcast %parallel_loop3A_363 : i32 to vector<16xi32>
        %parallel_loop3A_365 = arith.andi %parallel_loop3A_362, %parallel_loop3A_364 : vector<16xi32>
        %parallel_loop3A_366 = arith.constant 16 : i32
        %parallel_loop3A_367 = arith.muli %parallel_loop3A_9, %parallel_loop3A_366 : i32
        %parallel_loop3A_368 = arith.index_cast %parallel_loop3A_367 : i32 to index
        %parallel_loop3A_369 = tpu.vector_load %arg5[%parallel_loop3A_368] {strides = array<i32>} : memref<2048xi32, #tpu.memory_space<vmem>>, vector<16xi32>,
        %parallel_loop3A_370 = vector.shape_cast %parallel_loop3A_369 : vector<16xi32> to vector<16xi32>
        %parallel_loop3A_371 = vector.shape_cast %parallel_loop3A_365 : vector<16xi32> to vector<16xi32>
        tpu.vector_store %arg5[%parallel_loop3A_368], %parallel_loop3A_371 {strides = array<i32>} : memref<2048xi32, #tpu.memory_space<vmem>>, vector<16xi32>,
        %parallel_loop3A_372 = vector.shape_cast %broadcast_in_dim3A_3 : vector<16xi32> to vector<16x1xi32>
        %parallel_loop3A_373 = vector.shape_cast %parallel_loop3A_372 : vector<16x1xi32> to vector<16xi32>
        %parallel_loop3A_374 = tpu.dynamic_gather %parallel_loop3A_362[%parallel_loop3A_373] in [0] : vector<16xi32>, vector<16xi32> -> vector<16xi32>
        scf.yield %parallel_loop3A_374 : vector<16xi32>
      } {sc.loop_unroll_factor = 4 : i64, sc.parallel_access}
      "tpu.region"() ({
        %run_scoped3A = tpu.sem_alloc : memref<!tpu.dma_semaphore, #tpu.memory_space<semaphore_mem>>
        %dma_start3A = arith.constant 0 : i32
        %dma_start3A_9 = tpu.memref_slice %arg3[%add3A, %dma_start3A] : memref<16x2048xi32, #tpu.memory_space<hbm>> -> memref<1x2048xi32, #tpu.memory_space<hbm>>
        %dma_start3A_10 = tpu.memref_squeeze %dma_start3A_9 : memref<1x2048xi32, #tpu.memory_space<hbm>> -> memref<2048xi32, #tpu.memory_space<hbm>>
        %dma_start3A_11 = arith.constant 0 : i32
        %dma_start3A_12 = tpu.memref_slice %arg3[%add3A, %dma_start3A_11] : memref<16x2048xi32, #tpu.memory_space<hbm>> -> memref<1x2048xi32, #tpu.memory_space<hbm>>
        %dma_start3A_13 = tpu.memref_squeeze %dma_start3A_12 : memref<1x2048xi32, #tpu.memory_space<hbm>> -> memref<2048xi32, #tpu.memory_space<hbm>>
        tpu.enqueue_dma source(%arg5 : memref<2048xi32, #tpu.memory_space<vmem>>) target(%dma_start3A_13 : memref<2048xi32, #tpu.memory_space<hbm>>) target_semaphore(%run_scoped3A : memref<!tpu.dma_semaphore, #tpu.memory_space<semaphore_mem>>)
        %dma_wait3A = arith.constant 0 : i32
        %dma_wait3A_14 = tpu.memref_slice %arg3[%add3A, %dma_wait3A] : memref<16x2048xi32, #tpu.memory_space<hbm>> -> memref<1x2048xi32, #tpu.memory_space<hbm>>
        %dma_wait3A_15 = tpu.memref_squeeze %dma_wait3A_14 : memref<1x2048xi32, #tpu.memory_space<hbm>> -> memref<2048xi32, #tpu.memory_space<hbm>>
        %dma_wait3A_16 = arith.constant 0 : i32
        %dma_wait3A_17 = tpu.memref_slice %arg3[%add3A, %dma_wait3A_16] : memref<16x2048xi32, #tpu.memory_space<hbm>> -> memref<1x2048xi32, #tpu.memory_space<hbm>>
        %dma_wait3A_18 = tpu.memref_squeeze %dma_wait3A_17 : memref<1x2048xi32, #tpu.memory_space<hbm>> -> memref<2048xi32, #tpu.memory_space<hbm>>
        tpu.wait_dma2 semaphore(%run_scoped3A : memref<!tpu.dma_semaphore, #tpu.memory_space<semaphore_mem>>) src(%arg5 : memref<2048xi32, #tpu.memory_space<vmem>>) dst(%dma_wait3A_18 : memref<2048xi32, #tpu.memory_space<hbm>>)
        tpu.yield
      }) : () -> ()
    } else {
    }
    return
  }
}

module attributes {stable_mosaic.version = 14 : i64} {
  func.func @_tc_transitions(%arg0: memref<128x256xi32, #tpu.memory_space<vmem>>, %arg1: memref<128x256xi32, #tpu.memory_space<vmem>>, %arg2: memref<128x256xi32, #tpu.memory_space<vmem>>) attributes {dimension_semantics = [], scalar_prefetch = 0 : i64, scratch_operands = 0 : i64, tpu.core_type = #tpu.core_type<tc>} {
    %get3A = arith.constant 0 : index
    %get3A_0 = arith.constant 0 : index
    %get3A_1 = vector.load %arg0[%get3A, %get3A_0] : memref<128x256xi32, #tpu.memory_space<vmem>>, vector<128x256xi32>
    %get3A_2 = arith.constant 0 : index
    %get3A_3 = arith.constant 0 : index
    %get3A_4 = vector.load %arg1[%get3A_2, %get3A_3] : memref<128x256xi32, #tpu.memory_space<vmem>>, vector<128x256xi32>
    %eq3A = arith.constant 1 : i32
    %eq3A_5 = vector.broadcast %eq3A : i32 to vector<128x256xi32>
    %eq3A_6 = arith.cmpi eq, %get3A_4, %eq3A_5 : vector<128x256xi32>
    %convert_element_type3A = arith.sitofp %get3A_1 : vector<128x256xi32> to vector<128x256xf32>
    %add3A = arith.constant 1.996000e+03 : f32
    %add3A_7 = vector.broadcast %add3A : f32 to vector<128x256xf32>
    %add3A_8 = arith.addf %convert_element_type3A, %add3A_7 : vector<128x256xf32>
    %log3A = math.log %add3A_8 : vector<128x256xf32>
    %mul3A = arith.constant -1.000000e+00 : f32
    %mul3A_9 = vector.broadcast %mul3A : f32 to vector<128x256xf32>
    %mul3A_10 = arith.mulf %mul3A_9, %log3A : vector<128x256xf32>
    %convert_element_type3A_11 = arith.extui %eq3A_6 : vector<128x256xi1> to vector<128x256xi32>
    %convert_element_type3A_12 = arith.sitofp %convert_element_type3A_11 : vector<128x256xi32> to vector<128x256xf32>
    %mul3A_13 = arith.mulf %mul3A_10, %convert_element_type3A_12 : vector<128x256xf32>
    %slice3A = vector.extract_strided_slice %mul3A_13 {offsets = [0, 0], sizes = [1, 256], strides = [1, 1]} : vector<128x256xf32> to vector<1x256xf32>
    %slice3A_14 = vector.extract_strided_slice %mul3A_13 {offsets = [1, 0], sizes = [1, 256], strides = [1, 1]} : vector<128x256xf32> to vector<1x256xf32>
    %add3A_15 = arith.addf %slice3A, %slice3A_14 : vector<1x256xf32>
    %slice3A_16 = vector.extract_strided_slice %mul3A_13 {offsets = [2, 0], sizes = [1, 256], strides = [1, 1]} : vector<128x256xf32> to vector<1x256xf32>
    %add3A_17 = arith.addf %add3A_15, %slice3A_16 : vector<1x256xf32>
    %slice3A_18 = vector.extract_strided_slice %mul3A_13 {offsets = [3, 0], sizes = [1, 256], strides = [1, 1]} : vector<128x256xf32> to vector<1x256xf32>
    %add3A_19 = arith.addf %add3A_17, %slice3A_18 : vector<1x256xf32>
    %slice3A_20 = vector.extract_strided_slice %mul3A_13 {offsets = [4, 0], sizes = [1, 256], strides = [1, 1]} : vector<128x256xf32> to vector<1x256xf32>
    %add3A_21 = arith.addf %add3A_19, %slice3A_20 : vector<1x256xf32>
    %slice3A_22 = vector.extract_strided_slice %mul3A_13 {offsets = [5, 0], sizes = [1, 256], strides = [1, 1]} : vector<128x256xf32> to vector<1x256xf32>
    %add3A_23 = arith.addf %add3A_21, %slice3A_22 : vector<1x256xf32>
    %slice3A_24 = vector.extract_strided_slice %mul3A_13 {offsets = [6, 0], sizes = [1, 256], strides = [1, 1]} : vector<128x256xf32> to vector<1x256xf32>
    %add3A_25 = arith.addf %add3A_23, %slice3A_24 : vector<1x256xf32>
    %slice3A_26 = vector.extract_strided_slice %mul3A_13 {offsets = [7, 0], sizes = [1, 256], strides = [1, 1]} : vector<128x256xf32> to vector<1x256xf32>
    %add3A_27 = arith.addf %add3A_25, %slice3A_26 : vector<1x256xf32>
    %slice3A_28 = vector.extract_strided_slice %mul3A_13 {offsets = [8, 0], sizes = [1, 256], strides = [1, 1]} : vector<128x256xf32> to vector<1x256xf32>
    %add3A_29 = arith.addf %add3A_27, %slice3A_28 : vector<1x256xf32>
    %slice3A_30 = vector.extract_strided_slice %mul3A_13 {offsets = [9, 0], sizes = [1, 256], strides = [1, 1]} : vector<128x256xf32> to vector<1x256xf32>
    %add3A_31 = arith.addf %add3A_29, %slice3A_30 : vector<1x256xf32>
    %slice3A_32 = vector.extract_strided_slice %mul3A_13 {offsets = [10, 0], sizes = [1, 256], strides = [1, 1]} : vector<128x256xf32> to vector<1x256xf32>
    %add3A_33 = arith.addf %add3A_31, %slice3A_32 : vector<1x256xf32>
    %slice3A_34 = vector.extract_strided_slice %mul3A_13 {offsets = [11, 0], sizes = [1, 256], strides = [1, 1]} : vector<128x256xf32> to vector<1x256xf32>
    %add3A_35 = arith.addf %add3A_33, %slice3A_34 : vector<1x256xf32>
    %slice3A_36 = vector.extract_strided_slice %mul3A_13 {offsets = [12, 0], sizes = [1, 256], strides = [1, 1]} : vector<128x256xf32> to vector<1x256xf32>
    %add3A_37 = arith.addf %add3A_35, %slice3A_36 : vector<1x256xf32>
    %slice3A_38 = vector.extract_strided_slice %mul3A_13 {offsets = [13, 0], sizes = [1, 256], strides = [1, 1]} : vector<128x256xf32> to vector<1x256xf32>
    %add3A_39 = arith.addf %add3A_37, %slice3A_38 : vector<1x256xf32>
    %slice3A_40 = vector.extract_strided_slice %mul3A_13 {offsets = [14, 0], sizes = [1, 256], strides = [1, 1]} : vector<128x256xf32> to vector<1x256xf32>
    %add3A_41 = arith.addf %add3A_39, %slice3A_40 : vector<1x256xf32>
    %slice3A_42 = vector.extract_strided_slice %mul3A_13 {offsets = [15, 0], sizes = [1, 256], strides = [1, 1]} : vector<128x256xf32> to vector<1x256xf32>
    %add3A_43 = arith.addf %add3A_41, %slice3A_42 : vector<1x256xf32>
    %slice3A_44 = vector.extract_strided_slice %mul3A_13 {offsets = [16, 0], sizes = [1, 256], strides = [1, 1]} : vector<128x256xf32> to vector<1x256xf32>
    %add3A_45 = arith.addf %add3A_43, %slice3A_44 : vector<1x256xf32>
    %slice3A_46 = vector.extract_strided_slice %mul3A_13 {offsets = [17, 0], sizes = [1, 256], strides = [1, 1]} : vector<128x256xf32> to vector<1x256xf32>
    %add3A_47 = arith.addf %add3A_45, %slice3A_46 : vector<1x256xf32>
    %slice3A_48 = vector.extract_strided_slice %mul3A_13 {offsets = [18, 0], sizes = [1, 256], strides = [1, 1]} : vector<128x256xf32> to vector<1x256xf32>
    %add3A_49 = arith.addf %add3A_47, %slice3A_48 : vector<1x256xf32>
    %slice3A_50 = vector.extract_strided_slice %mul3A_13 {offsets = [19, 0], sizes = [1, 256], strides = [1, 1]} : vector<128x256xf32> to vector<1x256xf32>
    %add3A_51 = arith.addf %add3A_49, %slice3A_50 : vector<1x256xf32>
    %slice3A_52 = vector.extract_strided_slice %mul3A_13 {offsets = [20, 0], sizes = [1, 256], strides = [1, 1]} : vector<128x256xf32> to vector<1x256xf32>
    %add3A_53 = arith.addf %add3A_51, %slice3A_52 : vector<1x256xf32>
    %slice3A_54 = vector.extract_strided_slice %mul3A_13 {offsets = [21, 0], sizes = [1, 256], strides = [1, 1]} : vector<128x256xf32> to vector<1x256xf32>
    %add3A_55 = arith.addf %add3A_53, %slice3A_54 : vector<1x256xf32>
    %slice3A_56 = vector.extract_strided_slice %mul3A_13 {offsets = [22, 0], sizes = [1, 256], strides = [1, 1]} : vector<128x256xf32> to vector<1x256xf32>
    %add3A_57 = arith.addf %add3A_55, %slice3A_56 : vector<1x256xf32>
    %slice3A_58 = vector.extract_strided_slice %mul3A_13 {offsets = [23, 0], sizes = [1, 256], strides = [1, 1]} : vector<128x256xf32> to vector<1x256xf32>
    %add3A_59 = arith.addf %add3A_57, %slice3A_58 : vector<1x256xf32>
    %slice3A_60 = vector.extract_strided_slice %mul3A_13 {offsets = [24, 0], sizes = [1, 256], strides = [1, 1]} : vector<128x256xf32> to vector<1x256xf32>
    %add3A_61 = arith.addf %add3A_59, %slice3A_60 : vector<1x256xf32>
    %slice3A_62 = vector.extract_strided_slice %mul3A_13 {offsets = [25, 0], sizes = [1, 256], strides = [1, 1]} : vector<128x256xf32> to vector<1x256xf32>
    %add3A_63 = arith.addf %add3A_61, %slice3A_62 : vector<1x256xf32>
    %slice3A_64 = vector.extract_strided_slice %mul3A_13 {offsets = [26, 0], sizes = [1, 256], strides = [1, 1]} : vector<128x256xf32> to vector<1x256xf32>
    %add3A_65 = arith.addf %add3A_63, %slice3A_64 : vector<1x256xf32>
    %slice3A_66 = vector.extract_strided_slice %mul3A_13 {offsets = [27, 0], sizes = [1, 256], strides = [1, 1]} : vector<128x256xf32> to vector<1x256xf32>
    %add3A_67 = arith.addf %add3A_65, %slice3A_66 : vector<1x256xf32>
    %slice3A_68 = vector.extract_strided_slice %mul3A_13 {offsets = [28, 0], sizes = [1, 256], strides = [1, 1]} : vector<128x256xf32> to vector<1x256xf32>
    %add3A_69 = arith.addf %add3A_67, %slice3A_68 : vector<1x256xf32>
    %slice3A_70 = vector.extract_strided_slice %mul3A_13 {offsets = [29, 0], sizes = [1, 256], strides = [1, 1]} : vector<128x256xf32> to vector<1x256xf32>
    %add3A_71 = arith.addf %add3A_69, %slice3A_70 : vector<1x256xf32>
    %slice3A_72 = vector.extract_strided_slice %mul3A_13 {offsets = [30, 0], sizes = [1, 256], strides = [1, 1]} : vector<128x256xf32> to vector<1x256xf32>
    %add3A_73 = arith.addf %add3A_71, %slice3A_72 : vector<1x256xf32>
    %slice3A_74 = vector.extract_strided_slice %mul3A_13 {offsets = [31, 0], sizes = [1, 256], strides = [1, 1]} : vector<128x256xf32> to vector<1x256xf32>
    %add3A_75 = arith.addf %add3A_73, %slice3A_74 : vector<1x256xf32>
    %slice3A_76 = vector.extract_strided_slice %mul3A_13 {offsets = [32, 0], sizes = [1, 256], strides = [1, 1]} : vector<128x256xf32> to vector<1x256xf32>
    %add3A_77 = arith.addf %add3A_75, %slice3A_76 : vector<1x256xf32>
    %slice3A_78 = vector.extract_strided_slice %mul3A_13 {offsets = [33, 0], sizes = [1, 256], strides = [1, 1]} : vector<128x256xf32> to vector<1x256xf32>
    %add3A_79 = arith.addf %add3A_77, %slice3A_78 : vector<1x256xf32>
    %slice3A_80 = vector.extract_strided_slice %mul3A_13 {offsets = [34, 0], sizes = [1, 256], strides = [1, 1]} : vector<128x256xf32> to vector<1x256xf32>
    %add3A_81 = arith.addf %add3A_79, %slice3A_80 : vector<1x256xf32>
    %slice3A_82 = vector.extract_strided_slice %mul3A_13 {offsets = [35, 0], sizes = [1, 256], strides = [1, 1]} : vector<128x256xf32> to vector<1x256xf32>
    %add3A_83 = arith.addf %add3A_81, %slice3A_82 : vector<1x256xf32>
    %slice3A_84 = vector.extract_strided_slice %mul3A_13 {offsets = [36, 0], sizes = [1, 256], strides = [1, 1]} : vector<128x256xf32> to vector<1x256xf32>
    %add3A_85 = arith.addf %add3A_83, %slice3A_84 : vector<1x256xf32>
    %slice3A_86 = vector.extract_strided_slice %mul3A_13 {offsets = [37, 0], sizes = [1, 256], strides = [1, 1]} : vector<128x256xf32> to vector<1x256xf32>
    %add3A_87 = arith.addf %add3A_85, %slice3A_86 : vector<1x256xf32>
    %slice3A_88 = vector.extract_strided_slice %mul3A_13 {offsets = [38, 0], sizes = [1, 256], strides = [1, 1]} : vector<128x256xf32> to vector<1x256xf32>
    %add3A_89 = arith.addf %add3A_87, %slice3A_88 : vector<1x256xf32>
    %slice3A_90 = vector.extract_strided_slice %mul3A_13 {offsets = [39, 0], sizes = [1, 256], strides = [1, 1]} : vector<128x256xf32> to vector<1x256xf32>
    %add3A_91 = arith.addf %add3A_89, %slice3A_90 : vector<1x256xf32>
    %slice3A_92 = vector.extract_strided_slice %mul3A_13 {offsets = [40, 0], sizes = [1, 256], strides = [1, 1]} : vector<128x256xf32> to vector<1x256xf32>
    %add3A_93 = arith.addf %add3A_91, %slice3A_92 : vector<1x256xf32>
    %slice3A_94 = vector.extract_strided_slice %mul3A_13 {offsets = [41, 0], sizes = [1, 256], strides = [1, 1]} : vector<128x256xf32> to vector<1x256xf32>
    %add3A_95 = arith.addf %add3A_93, %slice3A_94 : vector<1x256xf32>
    %slice3A_96 = vector.extract_strided_slice %mul3A_13 {offsets = [42, 0], sizes = [1, 256], strides = [1, 1]} : vector<128x256xf32> to vector<1x256xf32>
    %add3A_97 = arith.addf %add3A_95, %slice3A_96 : vector<1x256xf32>
    %slice3A_98 = vector.extract_strided_slice %mul3A_13 {offsets = [43, 0], sizes = [1, 256], strides = [1, 1]} : vector<128x256xf32> to vector<1x256xf32>
    %add3A_99 = arith.addf %add3A_97, %slice3A_98 : vector<1x256xf32>
    %slice3A_100 = vector.extract_strided_slice %mul3A_13 {offsets = [44, 0], sizes = [1, 256], strides = [1, 1]} : vector<128x256xf32> to vector<1x256xf32>
    %add3A_101 = arith.addf %add3A_99, %slice3A_100 : vector<1x256xf32>
    %slice3A_102 = vector.extract_strided_slice %mul3A_13 {offsets = [45, 0], sizes = [1, 256], strides = [1, 1]} : vector<128x256xf32> to vector<1x256xf32>
    %add3A_103 = arith.addf %add3A_101, %slice3A_102 : vector<1x256xf32>
    %slice3A_104 = vector.extract_strided_slice %mul3A_13 {offsets = [46, 0], sizes = [1, 256], strides = [1, 1]} : vector<128x256xf32> to vector<1x256xf32>
    %add3A_105 = arith.addf %add3A_103, %slice3A_104 : vector<1x256xf32>
    %slice3A_106 = vector.extract_strided_slice %mul3A_13 {offsets = [47, 0], sizes = [1, 256], strides = [1, 1]} : vector<128x256xf32> to vector<1x256xf32>
    %add3A_107 = arith.addf %add3A_105, %slice3A_106 : vector<1x256xf32>
    %slice3A_108 = vector.extract_strided_slice %mul3A_13 {offsets = [48, 0], sizes = [1, 256], strides = [1, 1]} : vector<128x256xf32> to vector<1x256xf32>
    %add3A_109 = arith.addf %add3A_107, %slice3A_108 : vector<1x256xf32>
    %slice3A_110 = vector.extract_strided_slice %mul3A_13 {offsets = [49, 0], sizes = [1, 256], strides = [1, 1]} : vector<128x256xf32> to vector<1x256xf32>
    %add3A_111 = arith.addf %add3A_109, %slice3A_110 : vector<1x256xf32>
    %slice3A_112 = vector.extract_strided_slice %mul3A_13 {offsets = [50, 0], sizes = [1, 256], strides = [1, 1]} : vector<128x256xf32> to vector<1x256xf32>
    %add3A_113 = arith.addf %add3A_111, %slice3A_112 : vector<1x256xf32>
    %slice3A_114 = vector.extract_strided_slice %mul3A_13 {offsets = [51, 0], sizes = [1, 256], strides = [1, 1]} : vector<128x256xf32> to vector<1x256xf32>
    %add3A_115 = arith.addf %add3A_113, %slice3A_114 : vector<1x256xf32>
    %slice3A_116 = vector.extract_strided_slice %mul3A_13 {offsets = [52, 0], sizes = [1, 256], strides = [1, 1]} : vector<128x256xf32> to vector<1x256xf32>
    %add3A_117 = arith.addf %add3A_115, %slice3A_116 : vector<1x256xf32>
    %slice3A_118 = vector.extract_strided_slice %mul3A_13 {offsets = [53, 0], sizes = [1, 256], strides = [1, 1]} : vector<128x256xf32> to vector<1x256xf32>
    %add3A_119 = arith.addf %add3A_117, %slice3A_118 : vector<1x256xf32>
    %slice3A_120 = vector.extract_strided_slice %mul3A_13 {offsets = [54, 0], sizes = [1, 256], strides = [1, 1]} : vector<128x256xf32> to vector<1x256xf32>
    %add3A_121 = arith.addf %add3A_119, %slice3A_120 : vector<1x256xf32>
    %slice3A_122 = vector.extract_strided_slice %mul3A_13 {offsets = [55, 0], sizes = [1, 256], strides = [1, 1]} : vector<128x256xf32> to vector<1x256xf32>
    %add3A_123 = arith.addf %add3A_121, %slice3A_122 : vector<1x256xf32>
    %slice3A_124 = vector.extract_strided_slice %mul3A_13 {offsets = [56, 0], sizes = [1, 256], strides = [1, 1]} : vector<128x256xf32> to vector<1x256xf32>
    %add3A_125 = arith.addf %add3A_123, %slice3A_124 : vector<1x256xf32>
    %slice3A_126 = vector.extract_strided_slice %mul3A_13 {offsets = [57, 0], sizes = [1, 256], strides = [1, 1]} : vector<128x256xf32> to vector<1x256xf32>
    %add3A_127 = arith.addf %add3A_125, %slice3A_126 : vector<1x256xf32>
    %slice3A_128 = vector.extract_strided_slice %mul3A_13 {offsets = [58, 0], sizes = [1, 256], strides = [1, 1]} : vector<128x256xf32> to vector<1x256xf32>
    %add3A_129 = arith.addf %add3A_127, %slice3A_128 : vector<1x256xf32>
    %slice3A_130 = vector.extract_strided_slice %mul3A_13 {offsets = [59, 0], sizes = [1, 256], strides = [1, 1]} : vector<128x256xf32> to vector<1x256xf32>
    %add3A_131 = arith.addf %add3A_129, %slice3A_130 : vector<1x256xf32>
    %slice3A_132 = vector.extract_strided_slice %mul3A_13 {offsets = [60, 0], sizes = [1, 256], strides = [1, 1]} : vector<128x256xf32> to vector<1x256xf32>
    %add3A_133 = arith.addf %add3A_131, %slice3A_132 : vector<1x256xf32>
    %slice3A_134 = vector.extract_strided_slice %mul3A_13 {offsets = [61, 0], sizes = [1, 256], strides = [1, 1]} : vector<128x256xf32> to vector<1x256xf32>
    %add3A_135 = arith.addf %add3A_133, %slice3A_134 : vector<1x256xf32>
    %slice3A_136 = vector.extract_strided_slice %mul3A_13 {offsets = [62, 0], sizes = [1, 256], strides = [1, 1]} : vector<128x256xf32> to vector<1x256xf32>
    %add3A_137 = arith.addf %add3A_135, %slice3A_136 : vector<1x256xf32>
    %slice3A_138 = vector.extract_strided_slice %mul3A_13 {offsets = [63, 0], sizes = [1, 256], strides = [1, 1]} : vector<128x256xf32> to vector<1x256xf32>
    %add3A_139 = arith.addf %add3A_137, %slice3A_138 : vector<1x256xf32>
    %slice3A_140 = vector.extract_strided_slice %mul3A_13 {offsets = [64, 0], sizes = [1, 256], strides = [1, 1]} : vector<128x256xf32> to vector<1x256xf32>
    %add3A_141 = arith.addf %add3A_139, %slice3A_140 : vector<1x256xf32>
    %slice3A_142 = vector.extract_strided_slice %mul3A_13 {offsets = [65, 0], sizes = [1, 256], strides = [1, 1]} : vector<128x256xf32> to vector<1x256xf32>
    %add3A_143 = arith.addf %add3A_141, %slice3A_142 : vector<1x256xf32>
    %slice3A_144 = vector.extract_strided_slice %mul3A_13 {offsets = [66, 0], sizes = [1, 256], strides = [1, 1]} : vector<128x256xf32> to vector<1x256xf32>
    %add3A_145 = arith.addf %add3A_143, %slice3A_144 : vector<1x256xf32>
    %slice3A_146 = vector.extract_strided_slice %mul3A_13 {offsets = [67, 0], sizes = [1, 256], strides = [1, 1]} : vector<128x256xf32> to vector<1x256xf32>
    %add3A_147 = arith.addf %add3A_145, %slice3A_146 : vector<1x256xf32>
    %slice3A_148 = vector.extract_strided_slice %mul3A_13 {offsets = [68, 0], sizes = [1, 256], strides = [1, 1]} : vector<128x256xf32> to vector<1x256xf32>
    %add3A_149 = arith.addf %add3A_147, %slice3A_148 : vector<1x256xf32>
    %slice3A_150 = vector.extract_strided_slice %mul3A_13 {offsets = [69, 0], sizes = [1, 256], strides = [1, 1]} : vector<128x256xf32> to vector<1x256xf32>
    %add3A_151 = arith.addf %add3A_149, %slice3A_150 : vector<1x256xf32>
    %slice3A_152 = vector.extract_strided_slice %mul3A_13 {offsets = [70, 0], sizes = [1, 256], strides = [1, 1]} : vector<128x256xf32> to vector<1x256xf32>
    %add3A_153 = arith.addf %add3A_151, %slice3A_152 : vector<1x256xf32>
    %slice3A_154 = vector.extract_strided_slice %mul3A_13 {offsets = [71, 0], sizes = [1, 256], strides = [1, 1]} : vector<128x256xf32> to vector<1x256xf32>
    %add3A_155 = arith.addf %add3A_153, %slice3A_154 : vector<1x256xf32>
    %slice3A_156 = vector.extract_strided_slice %mul3A_13 {offsets = [72, 0], sizes = [1, 256], strides = [1, 1]} : vector<128x256xf32> to vector<1x256xf32>
    %add3A_157 = arith.addf %add3A_155, %slice3A_156 : vector<1x256xf32>
    %slice3A_158 = vector.extract_strided_slice %mul3A_13 {offsets = [73, 0], sizes = [1, 256], strides = [1, 1]} : vector<128x256xf32> to vector<1x256xf32>
    %add3A_159 = arith.addf %add3A_157, %slice3A_158 : vector<1x256xf32>
    %slice3A_160 = vector.extract_strided_slice %mul3A_13 {offsets = [74, 0], sizes = [1, 256], strides = [1, 1]} : vector<128x256xf32> to vector<1x256xf32>
    %add3A_161 = arith.addf %add3A_159, %slice3A_160 : vector<1x256xf32>
    %slice3A_162 = vector.extract_strided_slice %mul3A_13 {offsets = [75, 0], sizes = [1, 256], strides = [1, 1]} : vector<128x256xf32> to vector<1x256xf32>
    %add3A_163 = arith.addf %add3A_161, %slice3A_162 : vector<1x256xf32>
    %slice3A_164 = vector.extract_strided_slice %mul3A_13 {offsets = [76, 0], sizes = [1, 256], strides = [1, 1]} : vector<128x256xf32> to vector<1x256xf32>
    %add3A_165 = arith.addf %add3A_163, %slice3A_164 : vector<1x256xf32>
    %slice3A_166 = vector.extract_strided_slice %mul3A_13 {offsets = [77, 0], sizes = [1, 256], strides = [1, 1]} : vector<128x256xf32> to vector<1x256xf32>
    %add3A_167 = arith.addf %add3A_165, %slice3A_166 : vector<1x256xf32>
    %slice3A_168 = vector.extract_strided_slice %mul3A_13 {offsets = [78, 0], sizes = [1, 256], strides = [1, 1]} : vector<128x256xf32> to vector<1x256xf32>
    %add3A_169 = arith.addf %add3A_167, %slice3A_168 : vector<1x256xf32>
    %slice3A_170 = vector.extract_strided_slice %mul3A_13 {offsets = [79, 0], sizes = [1, 256], strides = [1, 1]} : vector<128x256xf32> to vector<1x256xf32>
    %add3A_171 = arith.addf %add3A_169, %slice3A_170 : vector<1x256xf32>
    %slice3A_172 = vector.extract_strided_slice %mul3A_13 {offsets = [80, 0], sizes = [1, 256], strides = [1, 1]} : vector<128x256xf32> to vector<1x256xf32>
    %add3A_173 = arith.addf %add3A_171, %slice3A_172 : vector<1x256xf32>
    %slice3A_174 = vector.extract_strided_slice %mul3A_13 {offsets = [81, 0], sizes = [1, 256], strides = [1, 1]} : vector<128x256xf32> to vector<1x256xf32>
    %add3A_175 = arith.addf %add3A_173, %slice3A_174 : vector<1x256xf32>
    %slice3A_176 = vector.extract_strided_slice %mul3A_13 {offsets = [82, 0], sizes = [1, 256], strides = [1, 1]} : vector<128x256xf32> to vector<1x256xf32>
    %add3A_177 = arith.addf %add3A_175, %slice3A_176 : vector<1x256xf32>
    %slice3A_178 = vector.extract_strided_slice %mul3A_13 {offsets = [83, 0], sizes = [1, 256], strides = [1, 1]} : vector<128x256xf32> to vector<1x256xf32>
    %add3A_179 = arith.addf %add3A_177, %slice3A_178 : vector<1x256xf32>
    %slice3A_180 = vector.extract_strided_slice %mul3A_13 {offsets = [84, 0], sizes = [1, 256], strides = [1, 1]} : vector<128x256xf32> to vector<1x256xf32>
    %add3A_181 = arith.addf %add3A_179, %slice3A_180 : vector<1x256xf32>
    %slice3A_182 = vector.extract_strided_slice %mul3A_13 {offsets = [85, 0], sizes = [1, 256], strides = [1, 1]} : vector<128x256xf32> to vector<1x256xf32>
    %add3A_183 = arith.addf %add3A_181, %slice3A_182 : vector<1x256xf32>
    %slice3A_184 = vector.extract_strided_slice %mul3A_13 {offsets = [86, 0], sizes = [1, 256], strides = [1, 1]} : vector<128x256xf32> to vector<1x256xf32>
    %add3A_185 = arith.addf %add3A_183, %slice3A_184 : vector<1x256xf32>
    %slice3A_186 = vector.extract_strided_slice %mul3A_13 {offsets = [87, 0], sizes = [1, 256], strides = [1, 1]} : vector<128x256xf32> to vector<1x256xf32>
    %add3A_187 = arith.addf %add3A_185, %slice3A_186 : vector<1x256xf32>
    %slice3A_188 = vector.extract_strided_slice %mul3A_13 {offsets = [88, 0], sizes = [1, 256], strides = [1, 1]} : vector<128x256xf32> to vector<1x256xf32>
    %add3A_189 = arith.addf %add3A_187, %slice3A_188 : vector<1x256xf32>
    %slice3A_190 = vector.extract_strided_slice %mul3A_13 {offsets = [89, 0], sizes = [1, 256], strides = [1, 1]} : vector<128x256xf32> to vector<1x256xf32>
    %add3A_191 = arith.addf %add3A_189, %slice3A_190 : vector<1x256xf32>
    %slice3A_192 = vector.extract_strided_slice %mul3A_13 {offsets = [90, 0], sizes = [1, 256], strides = [1, 1]} : vector<128x256xf32> to vector<1x256xf32>
    %add3A_193 = arith.addf %add3A_191, %slice3A_192 : vector<1x256xf32>
    %slice3A_194 = vector.extract_strided_slice %mul3A_13 {offsets = [91, 0], sizes = [1, 256], strides = [1, 1]} : vector<128x256xf32> to vector<1x256xf32>
    %add3A_195 = arith.addf %add3A_193, %slice3A_194 : vector<1x256xf32>
    %slice3A_196 = vector.extract_strided_slice %mul3A_13 {offsets = [92, 0], sizes = [1, 256], strides = [1, 1]} : vector<128x256xf32> to vector<1x256xf32>
    %add3A_197 = arith.addf %add3A_195, %slice3A_196 : vector<1x256xf32>
    %slice3A_198 = vector.extract_strided_slice %mul3A_13 {offsets = [93, 0], sizes = [1, 256], strides = [1, 1]} : vector<128x256xf32> to vector<1x256xf32>
    %add3A_199 = arith.addf %add3A_197, %slice3A_198 : vector<1x256xf32>
    %slice3A_200 = vector.extract_strided_slice %mul3A_13 {offsets = [94, 0], sizes = [1, 256], strides = [1, 1]} : vector<128x256xf32> to vector<1x256xf32>
    %add3A_201 = arith.addf %add3A_199, %slice3A_200 : vector<1x256xf32>
    %slice3A_202 = vector.extract_strided_slice %mul3A_13 {offsets = [95, 0], sizes = [1, 256], strides = [1, 1]} : vector<128x256xf32> to vector<1x256xf32>
    %add3A_203 = arith.addf %add3A_201, %slice3A_202 : vector<1x256xf32>
    %slice3A_204 = vector.extract_strided_slice %mul3A_13 {offsets = [96, 0], sizes = [1, 256], strides = [1, 1]} : vector<128x256xf32> to vector<1x256xf32>
    %add3A_205 = arith.addf %add3A_203, %slice3A_204 : vector<1x256xf32>
    %slice3A_206 = vector.extract_strided_slice %mul3A_13 {offsets = [97, 0], sizes = [1, 256], strides = [1, 1]} : vector<128x256xf32> to vector<1x256xf32>
    %add3A_207 = arith.addf %add3A_205, %slice3A_206 : vector<1x256xf32>
    %slice3A_208 = vector.extract_strided_slice %mul3A_13 {offsets = [98, 0], sizes = [1, 256], strides = [1, 1]} : vector<128x256xf32> to vector<1x256xf32>
    %add3A_209 = arith.addf %add3A_207, %slice3A_208 : vector<1x256xf32>
    %slice3A_210 = vector.extract_strided_slice %mul3A_13 {offsets = [99, 0], sizes = [1, 256], strides = [1, 1]} : vector<128x256xf32> to vector<1x256xf32>
    %add3A_211 = arith.addf %add3A_209, %slice3A_210 : vector<1x256xf32>
    %slice3A_212 = vector.extract_strided_slice %mul3A_13 {offsets = [100, 0], sizes = [1, 256], strides = [1, 1]} : vector<128x256xf32> to vector<1x256xf32>
    %add3A_213 = arith.addf %add3A_211, %slice3A_212 : vector<1x256xf32>
    %slice3A_214 = vector.extract_strided_slice %mul3A_13 {offsets = [101, 0], sizes = [1, 256], strides = [1, 1]} : vector<128x256xf32> to vector<1x256xf32>
    %add3A_215 = arith.addf %add3A_213, %slice3A_214 : vector<1x256xf32>
    %slice3A_216 = vector.extract_strided_slice %mul3A_13 {offsets = [102, 0], sizes = [1, 256], strides = [1, 1]} : vector<128x256xf32> to vector<1x256xf32>
    %add3A_217 = arith.addf %add3A_215, %slice3A_216 : vector<1x256xf32>
    %slice3A_218 = vector.extract_strided_slice %mul3A_13 {offsets = [103, 0], sizes = [1, 256], strides = [1, 1]} : vector<128x256xf32> to vector<1x256xf32>
    %add3A_219 = arith.addf %add3A_217, %slice3A_218 : vector<1x256xf32>
    %slice3A_220 = vector.extract_strided_slice %mul3A_13 {offsets = [104, 0], sizes = [1, 256], strides = [1, 1]} : vector<128x256xf32> to vector<1x256xf32>
    %add3A_221 = arith.addf %add3A_219, %slice3A_220 : vector<1x256xf32>
    %slice3A_222 = vector.extract_strided_slice %mul3A_13 {offsets = [105, 0], sizes = [1, 256], strides = [1, 1]} : vector<128x256xf32> to vector<1x256xf32>
    %add3A_223 = arith.addf %add3A_221, %slice3A_222 : vector<1x256xf32>
    %slice3A_224 = vector.extract_strided_slice %mul3A_13 {offsets = [106, 0], sizes = [1, 256], strides = [1, 1]} : vector<128x256xf32> to vector<1x256xf32>
    %add3A_225 = arith.addf %add3A_223, %slice3A_224 : vector<1x256xf32>
    %slice3A_226 = vector.extract_strided_slice %mul3A_13 {offsets = [107, 0], sizes = [1, 256], strides = [1, 1]} : vector<128x256xf32> to vector<1x256xf32>
    %add3A_227 = arith.addf %add3A_225, %slice3A_226 : vector<1x256xf32>
    %slice3A_228 = vector.extract_strided_slice %mul3A_13 {offsets = [108, 0], sizes = [1, 256], strides = [1, 1]} : vector<128x256xf32> to vector<1x256xf32>
    %add3A_229 = arith.addf %add3A_227, %slice3A_228 : vector<1x256xf32>
    %slice3A_230 = vector.extract_strided_slice %mul3A_13 {offsets = [109, 0], sizes = [1, 256], strides = [1, 1]} : vector<128x256xf32> to vector<1x256xf32>
    %add3A_231 = arith.addf %add3A_229, %slice3A_230 : vector<1x256xf32>
    %slice3A_232 = vector.extract_strided_slice %mul3A_13 {offsets = [110, 0], sizes = [1, 256], strides = [1, 1]} : vector<128x256xf32> to vector<1x256xf32>
    %add3A_233 = arith.addf %add3A_231, %slice3A_232 : vector<1x256xf32>
    %slice3A_234 = vector.extract_strided_slice %mul3A_13 {offsets = [111, 0], sizes = [1, 256], strides = [1, 1]} : vector<128x256xf32> to vector<1x256xf32>
    %add3A_235 = arith.addf %add3A_233, %slice3A_234 : vector<1x256xf32>
    %slice3A_236 = vector.extract_strided_slice %mul3A_13 {offsets = [112, 0], sizes = [1, 256], strides = [1, 1]} : vector<128x256xf32> to vector<1x256xf32>
    %add3A_237 = arith.addf %add3A_235, %slice3A_236 : vector<1x256xf32>
    %slice3A_238 = vector.extract_strided_slice %mul3A_13 {offsets = [113, 0], sizes = [1, 256], strides = [1, 1]} : vector<128x256xf32> to vector<1x256xf32>
    %add3A_239 = arith.addf %add3A_237, %slice3A_238 : vector<1x256xf32>
    %slice3A_240 = vector.extract_strided_slice %mul3A_13 {offsets = [114, 0], sizes = [1, 256], strides = [1, 1]} : vector<128x256xf32> to vector<1x256xf32>
    %add3A_241 = arith.addf %add3A_239, %slice3A_240 : vector<1x256xf32>
    %slice3A_242 = vector.extract_strided_slice %mul3A_13 {offsets = [115, 0], sizes = [1, 256], strides = [1, 1]} : vector<128x256xf32> to vector<1x256xf32>
    %add3A_243 = arith.addf %add3A_241, %slice3A_242 : vector<1x256xf32>
    %slice3A_244 = vector.extract_strided_slice %mul3A_13 {offsets = [116, 0], sizes = [1, 256], strides = [1, 1]} : vector<128x256xf32> to vector<1x256xf32>
    %add3A_245 = arith.addf %add3A_243, %slice3A_244 : vector<1x256xf32>
    %slice3A_246 = vector.extract_strided_slice %mul3A_13 {offsets = [117, 0], sizes = [1, 256], strides = [1, 1]} : vector<128x256xf32> to vector<1x256xf32>
    %add3A_247 = arith.addf %add3A_245, %slice3A_246 : vector<1x256xf32>
    %slice3A_248 = vector.extract_strided_slice %mul3A_13 {offsets = [118, 0], sizes = [1, 256], strides = [1, 1]} : vector<128x256xf32> to vector<1x256xf32>
    %add3A_249 = arith.addf %add3A_247, %slice3A_248 : vector<1x256xf32>
    %slice3A_250 = vector.extract_strided_slice %mul3A_13 {offsets = [119, 0], sizes = [1, 256], strides = [1, 1]} : vector<128x256xf32> to vector<1x256xf32>
    %add3A_251 = arith.addf %add3A_249, %slice3A_250 : vector<1x256xf32>
    %slice3A_252 = vector.extract_strided_slice %mul3A_13 {offsets = [120, 0], sizes = [1, 256], strides = [1, 1]} : vector<128x256xf32> to vector<1x256xf32>
    %add3A_253 = arith.addf %add3A_251, %slice3A_252 : vector<1x256xf32>
    %slice3A_254 = vector.extract_strided_slice %mul3A_13 {offsets = [121, 0], sizes = [1, 256], strides = [1, 1]} : vector<128x256xf32> to vector<1x256xf32>
    %add3A_255 = arith.addf %add3A_253, %slice3A_254 : vector<1x256xf32>
    %slice3A_256 = vector.extract_strided_slice %mul3A_13 {offsets = [122, 0], sizes = [1, 256], strides = [1, 1]} : vector<128x256xf32> to vector<1x256xf32>
    %add3A_257 = arith.addf %add3A_255, %slice3A_256 : vector<1x256xf32>
    %slice3A_258 = vector.extract_strided_slice %mul3A_13 {offsets = [123, 0], sizes = [1, 256], strides = [1, 1]} : vector<128x256xf32> to vector<1x256xf32>
    %add3A_259 = arith.addf %add3A_257, %slice3A_258 : vector<1x256xf32>
    %slice3A_260 = vector.extract_strided_slice %mul3A_13 {offsets = [124, 0], sizes = [1, 256], strides = [1, 1]} : vector<128x256xf32> to vector<1x256xf32>
    %add3A_261 = arith.addf %add3A_259, %slice3A_260 : vector<1x256xf32>
    %slice3A_262 = vector.extract_strided_slice %mul3A_13 {offsets = [125, 0], sizes = [1, 256], strides = [1, 1]} : vector<128x256xf32> to vector<1x256xf32>
    %add3A_263 = arith.addf %add3A_261, %slice3A_262 : vector<1x256xf32>
    %slice3A_264 = vector.extract_strided_slice %mul3A_13 {offsets = [126, 0], sizes = [1, 256], strides = [1, 1]} : vector<128x256xf32> to vector<1x256xf32>
    %add3A_265 = arith.addf %add3A_263, %slice3A_264 : vector<1x256xf32>
    %slice3A_266 = vector.extract_strided_slice %mul3A_13 {offsets = [127, 0], sizes = [1, 256], strides = [1, 1]} : vector<128x256xf32> to vector<1x256xf32>
    %add3A_267 = arith.addf %add3A_265, %slice3A_266 : vector<1x256xf32>
    %concatenate3A = tpu.concatenate %slice3A, %add3A_15, %add3A_17, %add3A_19, %add3A_21, %add3A_23, %add3A_25, %add3A_27, %add3A_29, %add3A_31, %add3A_33, %add3A_35, %add3A_37, %add3A_39, %add3A_41, %add3A_43, %add3A_45, %add3A_47, %add3A_49, %add3A_51, %add3A_53, %add3A_55, %add3A_57, %add3A_59, %add3A_61, %add3A_63, %add3A_65, %add3A_67, %add3A_69, %add3A_71, %add3A_73, %add3A_75, %add3A_77, %add3A_79, %add3A_81, %add3A_83, %add3A_85, %add3A_87, %add3A_89, %add3A_91, %add3A_93, %add3A_95, %add3A_97, %add3A_99, %add3A_101, %add3A_103, %add3A_105, %add3A_107, %add3A_109, %add3A_111, %add3A_113, %add3A_115, %add3A_117, %add3A_119, %add3A_121, %add3A_123, %add3A_125, %add3A_127, %add3A_129, %add3A_131, %add3A_133, %add3A_135, %add3A_137, %add3A_139, %add3A_141, %add3A_143, %add3A_145, %add3A_147, %add3A_149, %add3A_151, %add3A_153, %add3A_155, %add3A_157, %add3A_159, %add3A_161, %add3A_163, %add3A_165, %add3A_167, %add3A_169, %add3A_171, %add3A_173, %add3A_175, %add3A_177, %add3A_179, %add3A_181, %add3A_183, %add3A_185, %add3A_187, %add3A_189, %add3A_191, %add3A_193, %add3A_195, %add3A_197, %add3A_199, %add3A_201, %add3A_203, %add3A_205, %add3A_207, %add3A_209, %add3A_211, %add3A_213, %add3A_215, %add3A_217, %add3A_219, %add3A_221, %add3A_223, %add3A_225, %add3A_227, %add3A_229, %add3A_231, %add3A_233, %add3A_235, %add3A_237, %add3A_239, %add3A_241, %add3A_243, %add3A_245, %add3A_247, %add3A_249, %add3A_251, %add3A_253, %add3A_255, %add3A_257, %add3A_259, %add3A_261, %add3A_263, %add3A_265, %add3A_267 in 0 : vector<1x256xf32>, vector<1x256xf32>, vector<1x256xf32>, vector<1x256xf32>, vector<1x256xf32>, vector<1x256xf32>, vector<1x256xf32>, vector<1x256xf32>, vector<1x256xf32>, vector<1x256xf32>, vector<1x256xf32>, vector<1x256xf32>, vector<1x256xf32>, vector<1x256xf32>, vector<1x256xf32>, vector<1x256xf32>, vector<1x256xf32>, vector<1x256xf32>, vector<1x256xf32>, vector<1x256xf32>, vector<1x256xf32>, vector<1x256xf32>, vector<1x256xf32>, vector<1x256xf32>, vector<1x256xf32>, vector<1x256xf32>, vector<1x256xf32>, vector<1x256xf32>, vector<1x256xf32>, vector<1x256xf32>, vector<1x256xf32>, vector<1x256xf32>, vector<1x256xf32>, vector<1x256xf32>, vector<1x256xf32>, vector<1x256xf32>, vector<1x256xf32>, vector<1x256xf32>, vector<1x256xf32>, vector<1x256xf32>, vector<1x256xf32>, vector<1x256xf32>, vector<1x256xf32>, vector<1x256xf32>, vector<1x256xf32>, vector<1x256xf32>, vector<1x256xf32>, vector<1x256xf32>, vector<1x256xf32>, vector<1x256xf32>, vector<1x256xf32>, vector<1x256xf32>, vector<1x256xf32>, vector<1x256xf32>, vector<1x256xf32>, vector<1x256xf32>, vector<1x256xf32>, vector<1x256xf32>, vector<1x256xf32>, vector<1x256xf32>, vector<1x256xf32>, vector<1x256xf32>, vector<1x256xf32>, vector<1x256xf32>, vector<1x256xf32>, vector<1x256xf32>, vector<1x256xf32>, vector<1x256xf32>, vector<1x256xf32>, vector<1x256xf32>, vector<1x256xf32>, vector<1x256xf32>, vector<1x256xf32>, vector<1x256xf32>, vector<1x256xf32>, vector<1x256xf32>, vector<1x256xf32>, vector<1x256xf32>, vector<1x256xf32>, vector<1x256xf32>, vector<1x256xf32>, vector<1x256xf32>, vector<1x256xf32>, vector<1x256xf32>, vector<1x256xf32>, vector<1x256xf32>, vector<1x256xf32>, vector<1x256xf32>, vector<1x256xf32>, vector<1x256xf32>, vector<1x256xf32>, vector<1x256xf32>, vector<1x256xf32>, vector<1x256xf32>, vector<1x256xf32>, vector<1x256xf32>, vector<1x256xf32>, vector<1x256xf32>, vector<1x256xf32>, vector<1x256xf32>, vector<1x256xf32>, vector<1x256xf32>, vector<1x256xf32>, vector<1x256xf32>, vector<1x256xf32>, vector<1x256xf32>, vector<1x256xf32>, vector<1x256xf32>, vector<1x256xf32>, vector<1x256xf32>, vector<1x256xf32>, vector<1x256xf32>, vector<1x256xf32>, vector<1x256xf32>, vector<1x256xf32>, vector<1x256xf32>, vector<1x256xf32>, vector<1x256xf32>, vector<1x256xf32>, vector<1x256xf32>, vector<1x256xf32>, vector<1x256xf32>, vector<1x256xf32>, vector<1x256xf32>, vector<1x256xf32>, vector<1x256xf32>, vector<1x256xf32>, vector<1x256xf32> -> vector<128x256xf32>
    %slice3A_268 = vector.extract_strided_slice %concatenate3A {offsets = [127, 0], sizes = [1, 256], strides = [1, 1]} : vector<128x256xf32> to vector<1x256xf32>
    %broadcast_in_dim3A = arith.constant 0.000000e+00 : f32
    %broadcast_in_dim3A_269 = vector.broadcast %broadcast_in_dim3A : f32 to vector<1x16xf32>
    %slice3A_270 = vector.extract_strided_slice %slice3A_268 {offsets = [0, 0], sizes = [1, 16], strides = [1, 1]} : vector<1x256xf32> to vector<1x16xf32>
    %add3A_271 = arith.addf %broadcast_in_dim3A_269, %slice3A_270 : vector<1x16xf32>
    %slice3A_272 = vector.extract_strided_slice %slice3A_268 {offsets = [0, 16], sizes = [1, 16], strides = [1, 1]} : vector<1x256xf32> to vector<1x16xf32>
    %add3A_273 = arith.addf %add3A_271, %slice3A_272 : vector<1x16xf32>
    %slice3A_274 = vector.extract_strided_slice %slice3A_268 {offsets = [0, 32], sizes = [1, 16], strides = [1, 1]} : vector<1x256xf32> to vector<1x16xf32>
    %add3A_275 = arith.addf %add3A_273, %slice3A_274 : vector<1x16xf32>
    %slice3A_276 = vector.extract_strided_slice %slice3A_268 {offsets = [0, 48], sizes = [1, 16], strides = [1, 1]} : vector<1x256xf32> to vector<1x16xf32>
    %add3A_277 = arith.addf %add3A_275, %slice3A_276 : vector<1x16xf32>
    %slice3A_278 = vector.extract_strided_slice %slice3A_268 {offsets = [0, 64], sizes = [1, 16], strides = [1, 1]} : vector<1x256xf32> to vector<1x16xf32>
    %add3A_279 = arith.addf %add3A_277, %slice3A_278 : vector<1x16xf32>
    %slice3A_280 = vector.extract_strided_slice %slice3A_268 {offsets = [0, 80], sizes = [1, 16], strides = [1, 1]} : vector<1x256xf32> to vector<1x16xf32>
    %add3A_281 = arith.addf %add3A_279, %slice3A_280 : vector<1x16xf32>
    %slice3A_282 = vector.extract_strided_slice %slice3A_268 {offsets = [0, 96], sizes = [1, 16], strides = [1, 1]} : vector<1x256xf32> to vector<1x16xf32>
    %add3A_283 = arith.addf %add3A_281, %slice3A_282 : vector<1x16xf32>
    %slice3A_284 = vector.extract_strided_slice %slice3A_268 {offsets = [0, 112], sizes = [1, 16], strides = [1, 1]} : vector<1x256xf32> to vector<1x16xf32>
    %add3A_285 = arith.addf %add3A_283, %slice3A_284 : vector<1x16xf32>
    %slice3A_286 = vector.extract_strided_slice %slice3A_268 {offsets = [0, 128], sizes = [1, 16], strides = [1, 1]} : vector<1x256xf32> to vector<1x16xf32>
    %add3A_287 = arith.addf %add3A_285, %slice3A_286 : vector<1x16xf32>
    %slice3A_288 = vector.extract_strided_slice %slice3A_268 {offsets = [0, 144], sizes = [1, 16], strides = [1, 1]} : vector<1x256xf32> to vector<1x16xf32>
    %add3A_289 = arith.addf %add3A_287, %slice3A_288 : vector<1x16xf32>
    %slice3A_290 = vector.extract_strided_slice %slice3A_268 {offsets = [0, 160], sizes = [1, 16], strides = [1, 1]} : vector<1x256xf32> to vector<1x16xf32>
    %add3A_291 = arith.addf %add3A_289, %slice3A_290 : vector<1x16xf32>
    %slice3A_292 = vector.extract_strided_slice %slice3A_268 {offsets = [0, 176], sizes = [1, 16], strides = [1, 1]} : vector<1x256xf32> to vector<1x16xf32>
    %add3A_293 = arith.addf %add3A_291, %slice3A_292 : vector<1x16xf32>
    %slice3A_294 = vector.extract_strided_slice %slice3A_268 {offsets = [0, 192], sizes = [1, 16], strides = [1, 1]} : vector<1x256xf32> to vector<1x16xf32>
    %add3A_295 = arith.addf %add3A_293, %slice3A_294 : vector<1x16xf32>
    %slice3A_296 = vector.extract_strided_slice %slice3A_268 {offsets = [0, 208], sizes = [1, 16], strides = [1, 1]} : vector<1x256xf32> to vector<1x16xf32>
    %add3A_297 = arith.addf %add3A_295, %slice3A_296 : vector<1x16xf32>
    %slice3A_298 = vector.extract_strided_slice %slice3A_268 {offsets = [0, 224], sizes = [1, 16], strides = [1, 1]} : vector<1x256xf32> to vector<1x16xf32>
    %add3A_299 = arith.addf %add3A_297, %slice3A_298 : vector<1x16xf32>
    %concatenate3A_300 = tpu.concatenate %broadcast_in_dim3A_269, %add3A_271, %add3A_273, %add3A_275, %add3A_277, %add3A_279, %add3A_281, %add3A_283, %add3A_285, %add3A_287, %add3A_289, %add3A_291, %add3A_293, %add3A_295, %add3A_297, %add3A_299 in 1 : vector<1x16xf32>, vector<1x16xf32>, vector<1x16xf32>, vector<1x16xf32>, vector<1x16xf32>, vector<1x16xf32>, vector<1x16xf32>, vector<1x16xf32>, vector<1x16xf32>, vector<1x16xf32>, vector<1x16xf32>, vector<1x16xf32>, vector<1x16xf32>, vector<1x16xf32>, vector<1x16xf32>, vector<1x16xf32> -> vector<1x256xf32>
    %add3A_301 = vector.broadcast %concatenate3A_300 : vector<1x256xf32> to vector<128x256xf32>
    %add3A_302 = arith.addf %concatenate3A, %add3A_301 : vector<128x256xf32>
    %slice3A_303 = vector.extract_strided_slice %add3A_302 {offsets = [127, 0], sizes = [1, 256], strides = [1, 1]} : vector<128x256xf32> to vector<1x256xf32>
    %broadcast_in_dim3A_304 = arith.constant 0.000000e+00 : f32
    %broadcast_in_dim3A_305 = vector.broadcast %broadcast_in_dim3A_304 : f32 to vector<1x16xf32>
    %slice3A_306 = vector.extract_strided_slice %slice3A_303 {offsets = [0, 0], sizes = [1, 240], strides = [1, 1]} : vector<1x256xf32> to vector<1x240xf32>
    %concatenate3A_307 = tpu.concatenate %broadcast_in_dim3A_305, %slice3A_306 in 1 : vector<1x16xf32>, vector<1x240xf32> -> vector<1x256xf32>
    %slice3A_308 = vector.extract_strided_slice %add3A_302 {offsets = [0, 0], sizes = [127, 256], strides = [1, 1]} : vector<128x256xf32> to vector<127x256xf32>
    %concatenate3A_309 = tpu.concatenate %concatenate3A_307, %slice3A_308 in 0 : vector<1x256xf32>, vector<127x256xf32> -> vector<128x256xf32>
    %sub3A = arith.subf %add3A_302, %concatenate3A_309 : vector<128x256xf32>
    %lt3A = arith.constant -2.000000e+01 : f32
    %lt3A_310 = vector.broadcast %lt3A : f32 to vector<128x256xf32>
    %lt3A_311 = arith.cmpf olt, %sub3A, %lt3A_310 : vector<128x256xf32>
    %slice3A_312 = vector.extract_strided_slice %add3A_302 {offsets = [126, 0], sizes = [2, 256], strides = [1, 1]} : vector<128x256xf32> to vector<2x256xf32>
    %broadcast_in_dim3A_313 = arith.constant 0.000000e+00 : f32
    %broadcast_in_dim3A_314 = vector.broadcast %broadcast_in_dim3A_313 : f32 to vector<2x16xf32>
    %slice3A_315 = vector.extract_strided_slice %slice3A_312 {offsets = [0, 0], sizes = [2, 240], strides = [1, 1]} : vector<2x256xf32> to vector<2x240xf32>
    %concatenate3A_316 = tpu.concatenate %broadcast_in_dim3A_314, %slice3A_315 in 1 : vector<2x16xf32>, vector<2x240xf32> -> vector<2x256xf32>
    %slice3A_317 = vector.extract_strided_slice %add3A_302 {offsets = [0, 0], sizes = [126, 256], strides = [1, 1]} : vector<128x256xf32> to vector<126x256xf32>
    %concatenate3A_318 = tpu.concatenate %concatenate3A_316, %slice3A_317 in 0 : vector<2x256xf32>, vector<126x256xf32> -> vector<128x256xf32>
    %sub3A_319 = arith.subf %add3A_302, %concatenate3A_318 : vector<128x256xf32>
    %lt3A_320 = arith.constant -2.000000e+01 : f32
    %lt3A_321 = vector.broadcast %lt3A_320 : f32 to vector<128x256xf32>
    %lt3A_322 = arith.cmpf olt, %sub3A_319, %lt3A_321 : vector<128x256xf32>
    %slice3A_323 = vector.extract_strided_slice %add3A_302 {offsets = [125, 0], sizes = [3, 256], strides = [1, 1]} : vector<128x256xf32> to vector<3x256xf32>
    %broadcast_in_dim3A_324 = arith.constant 0.000000e+00 : f32
    %broadcast_in_dim3A_325 = vector.broadcast %broadcast_in_dim3A_324 : f32 to vector<3x16xf32>
    %slice3A_326 = vector.extract_strided_slice %slice3A_323 {offsets = [0, 0], sizes = [3, 240], strides = [1, 1]} : vector<3x256xf32> to vector<3x240xf32>
    %concatenate3A_327 = tpu.concatenate %broadcast_in_dim3A_325, %slice3A_326 in 1 : vector<3x16xf32>, vector<3x240xf32> -> vector<3x256xf32>
    %slice3A_328 = vector.extract_strided_slice %add3A_302 {offsets = [0, 0], sizes = [125, 256], strides = [1, 1]} : vector<128x256xf32> to vector<125x256xf32>
    %concatenate3A_329 = tpu.concatenate %concatenate3A_327, %slice3A_328 in 0 : vector<3x256xf32>, vector<125x256xf32> -> vector<128x256xf32>
    %sub3A_330 = arith.subf %add3A_302, %concatenate3A_329 : vector<128x256xf32>
    %lt3A_331 = arith.constant -2.000000e+01 : f32
    %lt3A_332 = vector.broadcast %lt3A_331 : f32 to vector<128x256xf32>
    %lt3A_333 = arith.cmpf olt, %sub3A_330, %lt3A_332 : vector<128x256xf32>
    %slice3A_334 = vector.extract_strided_slice %get3A_4 {offsets = [127, 0], sizes = [1, 256], strides = [1, 1]} : vector<128x256xi32> to vector<1x256xi32>
    %broadcast_in_dim3A_335 = arith.constant 0 : i32
    %broadcast_in_dim3A_336 = vector.broadcast %broadcast_in_dim3A_335 : i32 to vector<1x16xi32>
    %slice3A_337 = vector.extract_strided_slice %slice3A_334 {offsets = [0, 0], sizes = [1, 240], strides = [1, 1]} : vector<1x256xi32> to vector<1x240xi32>
    %concatenate3A_338 = tpu.concatenate %broadcast_in_dim3A_336, %slice3A_337 in 1 : vector<1x16xi32>, vector<1x240xi32> -> vector<1x256xi32>
    %slice3A_339 = vector.extract_strided_slice %get3A_4 {offsets = [0, 0], sizes = [127, 256], strides = [1, 1]} : vector<128x256xi32> to vector<127x256xi32>
    %concatenate3A_340 = tpu.concatenate %concatenate3A_338, %slice3A_339 in 0 : vector<1x256xi32>, vector<127x256xi32> -> vector<128x256xi32>
    %eq3A_341 = arith.constant 1 : i32
    %eq3A_342 = vector.broadcast %eq3A_341 : i32 to vector<128x256xi32>
    %eq3A_343 = arith.cmpi eq, %concatenate3A_340, %eq3A_342 : vector<128x256xi32>
    %not3A = arith.constant dense<true> : vector<128x256xi1>
    %not3A_344 = arith.xori %eq3A_6, %not3A : vector<128x256xi1>
    %not3A_345 = arith.constant dense<true> : vector<128x256xi1>
    %not3A_346 = arith.xori %eq3A_343, %not3A_345 : vector<128x256xi1>
    %or3A = arith.ori %not3A_344, %not3A_346 : vector<128x256xi1>
    %or3A_347 = arith.ori %or3A, %lt3A_311 : vector<128x256xi1>
    %convert_element_type3A_348 = arith.extui %or3A_347 : vector<128x256xi1> to vector<128x256xi32>
    %or3A_349 = arith.ori %not3A_344, %lt3A_322 : vector<128x256xi1>
    %convert_element_type3A_350 = arith.extui %or3A_349 : vector<128x256xi1> to vector<128x256xi32>
    %or3A_351 = arith.ori %not3A_344, %lt3A_333 : vector<128x256xi1>
    %convert_element_type3A_352 = arith.extui %or3A_351 : vector<128x256xi1> to vector<128x256xi32>
    %or3A_353 = arith.constant 2 : i32
    %or3A_354 = vector.broadcast %or3A_353 : i32 to vector<128x256xi32>
    %or3A_355 = arith.ori %convert_element_type3A_348, %or3A_354 : vector<128x256xi32>
    %shift_left3A = arith.constant 2 : i32
    %shift_left3A_356 = vector.broadcast %shift_left3A : i32 to vector<128x256xi32>
    %shift_left3A_357 = arith.shli %or3A_355, %shift_left3A_356 : vector<128x256xi32>
    %or3A_358 = arith.ori %convert_element_type3A_352, %shift_left3A_357 : vector<128x256xi32>
    %shift_left3A_359 = arith.constant 4 : i32
    %shift_left3A_360 = vector.broadcast %shift_left3A_359 : i32 to vector<128x256xi32>
    %shift_left3A_361 = arith.shli %convert_element_type3A_350, %shift_left3A_360 : vector<128x256xi32>
    %or3A_362 = arith.ori %or3A_358, %shift_left3A_361 : vector<128x256xi32>
    %or3A_363 = arith.constant 2 : i32
    %or3A_364 = vector.broadcast %or3A_363 : i32 to vector<128x256xi32>
    %or3A_365 = arith.ori %convert_element_type3A_348, %or3A_364 : vector<128x256xi32>
    %shift_left3A_366 = arith.constant 6 : i32
    %shift_left3A_367 = vector.broadcast %shift_left3A_366 : i32 to vector<128x256xi32>
    %shift_left3A_368 = arith.shli %or3A_365, %shift_left3A_367 : vector<128x256xi32>
    %or3A_369 = arith.ori %or3A_362, %shift_left3A_368 : vector<128x256xi32>
    %iota3A = tpu.iota {dimensions = array<i32: 0>} : vector<128x256xi32>
    %iota3A_370 = tpu.iota {dimensions = array<i32: 1>} : vector<128x256xi32>
    %eq3A_371 = arith.constant 0 : i32
    %eq3A_372 = vector.broadcast %eq3A_371 : i32 to vector<128x256xi32>
    %eq3A_373 = arith.cmpi eq, %iota3A, %eq3A_372 : vector<128x256xi32>
    %lt3A_374 = arith.constant 16 : i32
    %lt3A_375 = vector.broadcast %lt3A_374 : i32 to vector<128x256xi32>
    %lt3A_376 = arith.cmpi slt, %iota3A_370, %lt3A_375 : vector<128x256xi32>
    %and3A = arith.andi %eq3A_373, %lt3A_376 : vector<128x256xi1>
    %jit3A = arith.constant 228 : i32
    %broadcast_in_dim3A_377 = vector.broadcast %jit3A : i32 to vector<128x256xi32>
    %select_n3A = arith.select %and3A, %broadcast_in_dim3A_377, %or3A_369 : vector<128x256xi1>, vector<128x256xi32>
    %swap3A = arith.constant 0 : index
    %swap3A_378 = arith.constant 0 : index
    %swap3A_379 = vector.load %arg2[%swap3A, %swap3A_378] : memref<128x256xi32, #tpu.memory_space<vmem>>, vector<128x256xi32>
    tpu.vector_store %arg2[%swap3A, %swap3A_378], %select_n3A {strides = array<i32>} : memref<128x256xi32, #tpu.memory_space<vmem>>, vector<128x256xi32>,
    return
  }
}

</mosaic_0001>

<sc_bundles>
// kernel: kernel.4.cloned.1.call-start
scs
__scs_entry_jumppad:
0x0: {  	(pc) =	sbr.rel $0x88, $3  }
0x1: {  	(tag) =	ssettag $0x0;
	lr =	simm.s32 $0x1  }
0x2: {  	[smem:$0x3F9F] =	sst lr;
	_ =	strace $0xD0000000  }
0x3: {  	_ = 	snop  }
0x4: {  	_ = 	snop  }
0x5: {  	_ = 	snop  }
0x6: {  	_ = 	snop  }
0x7: {  	_ = 	snop  }
__scs_overlays_trampoline_lowered:
0x8: {  	[smem:$0x3FAE] =	sst s0  }
0x9: {  	[smem:$0x3FAF] =	sst s1  }
0xa: {  	[smem:$0x3FB0] =	sst s2  }
0xb: {  	[smem:$0x3FB1] =	sst s3  }
0xc: {  	[smem:$0x3FB2] =	sst s4  }
0xd: {  	[smem:$0x3FB3] =	sst s5  }
0xe: {  	[smem:$0x3FB4] =	sst s6  }
0xf: {  	[smem:$0x3FB5] =	sst s7  }
0x10: {  	[smem:$0x3FB6] =	sst s8  }
0x11: {  	[smem:$0x3FB7] =	sst s9;
	s0 =	simm.s32 @!p0 $0x0  }
0x12: {  	s1 =	sld [smem:$0x3F9D];
	s0 =	simm.s32 @p0 $0x1  }
0x13: {  	[smem:$0x3FB8] =	sst s0;
	s0 =	simm.s32 @!p1 $0x0  }
0x14: {  	s2 =	sld [smem:$0x3F9C];
	s0 =	simm.s32 @p1 $0x1  }
0x15: {  	[smem:$0x3FB9] =	sst s0;
	s0 =	simm.s32 @!p2 $0x0  }
0x16: {  	s3 =	sld [smem:$0x3FDB];
	s0 =	simm.s32 @p2 $0x1  }
0x17: {  	s4 =	simm.s32 $0x1BF5;
	[smem:$0x3FBB] =	sst s0  }
0x18: {  	s0 =	sld [smem:$0x3F9E];
	_ =	swait.ge [sflag:s4], $0x0  }
0x19: {  	s7 =	sld [smem:$0x3F9F]  }
0x1a: {  	s8 =	sadd.s32 $0xFFFFE003, lr  }
0x1b: {  	s9 =	sadd.s32 $0xFFFFFEF7, lr;
	s5 =	simm.s32 $0xFFFFFFFF;
	p2 =	slt.u32 s8, $0xFFFFF086  }
0x1c: {  	p1 =	slt.u32 s9, $0xF7A;
	s5 =	simm.s32 @!p2 $0x0  }
0x1d: {  	s5 =	simm.s32 @p1 $0x1;
	p0 =	seq.s32 s7, s2  }
0x1e: {  	s7 =	smul.u32 @!p0 $0xF7A, s2;
	p2 =	seq.s32 @!p0 s5, $0x0  }
0x1f: {  	s9 =	smul.u32 $0xF7A, s1;
	s8 =	simm.s32 @!p0 $0x1BF5;
	p2 =	por !p2, p0  }
0x20: {  	[sflag:s8] =	ssyncset.s32 @!p0 $0xFFFFF086;
	s6 =	sadd.s32 @!p0 s3, s7;
	s7 =	simm.s32 @!p0 $0x108  }
0x21: {  	s3 =	sadd.s32 s3, s9;
	s6 =	sadd.s32 @!p0 $0x88, s6;
	s7 =	simm.s32 @p2 $0x1082  }
0x22: {  	[simem:s7], [sflag:s8] =	dma.local @!p0 [hbm:s6], $0xF7A  }
0x23: {  	s9 =	sor.u32 $0xD0000000, s2;
	s6 =	simm.s32 $0x108;
	_ =	swait.ge @!p0 [sflag:s8], $0x0  }
0x24: {  	s3 =	sadd.s32 $0x88, s3;
	s6 =	simm.s32 @!p1 $0x1082;
	[sflag:s4] =	ssyncset.s32 $0xFFFFF086  }
0x25: {  	[simem:s6], [sflag:s4] =	dma.local [hbm:s3], $0xF7A  }
0x26: {  	[smem:$0x3F9F] =	sst s1;
	(tag) =	ssettag s2;
	_ =	strace s9  }
0x27: {  	s1 =	sld [smem:$0x3FAF]  }
0x28: {  	s2 =	sld [smem:$0x3FB0]  }
0x29: {  	s4 =	sld [smem:$0x3FB2]  }
0x2a: {  	p0 =	seq.s32 s5, $0x0;
	s5 =	sld [smem:$0x3FB3]  }
0x2b: {  	s6 =	sld [smem:$0x3FB4]  }
0x2c: {  	s7 =	sld [smem:$0x3FB5]  }
0x2d: {  	s3 =	simm.s32 $0x108;
	s8 =	sld [smem:$0x3FB6]  }
0x2e: {  	s3 =	simm.s32 @!p0 $0x1082;
	s9 =	sld [smem:$0x3FB7]  }
0x2f: {  	lr =	sadd.s32 s0, s3;
	s0 =	sld [smem:$0x3FAE]  }
0x30: {  	s3 =	sld [smem:$0x3FB1]  }
0x31: {  	[smem:$0x3FBA] =	sst s10  }
0x32: {  	s10 =	sld [smem:$0x3FB8];
	_ =	sdelay $0x3  }
0x33: {  	p0 =	seq.s32 s10, $0x1;
	s10 =	sld [smem:$0x3FBA];
	_ =	sdelay $0x3  }
0x34: {  	[smem:$0x3FBA] =	sst s10  }
0x35: {  	s10 =	sld [smem:$0x3FB9];
	_ =	sdelay $0x3  }
0x36: {  	p1 =	seq.s32 s10, $0x1;
	s10 =	sld [smem:$0x3FBA];
	_ =	sdelay $0x3  }
0x37: {  	[smem:$0x3FBA] =	sst s10  }
0x38: {  	s10 =	sld [smem:$0x3FBB]  }
0x39: {  	_ = 	snop;
	(pc) =	sbr.ind lr, $3  }
0x3a: {  	_ = 	snop  }
0x3b: {  	_ = 	snop  }
0x3c: {  	p2 =	seq.s32 s10, $0x1;
	s10 =	sld [smem:$0x3FBA]  }
0x3d: {  	_ =	shalt  }
0x3e: {  	_ =	shalt  }
0x3f: {  	_ =	shalt  }
0x40: {  	_ =	shalt  }
0x41: {  	_ =	shalt  }
0x42: {  	_ =	shalt  }
0x43: {  	_ =	shalt  }
0x44: {  	_ =	shalt  }
0x45: {  	_ =	shalt  }
0x46: {  	_ =	shalt  }
0x47: {  	_ =	shalt  }
0x48: {  	_ =	shalt  }
0x49: {  	_ =	shalt  }
0x4a: {  	_ =	shalt  }
0x4b: {  	_ =	shalt  }
0x4c: {  	_ =	shalt  }
0x4d: {  	_ =	shalt  }
0x4e: {  	_ =	shalt  }
0x4f: {  	_ =	shalt  }
0x50: {  	_ =	shalt  }
0x51: {  	_ =	shalt  }
0x52: {  	_ =	shalt  }
0x53: {  	_ =	shalt  }
0x54: {  	_ =	shalt  }
0x55: {  	_ =	shalt  }
0x56: {  	_ =	shalt  }
0x57: {  	_ =	shalt  }
0x58: {  	_ =	shalt  }
0x59: {  	_ =	shalt  }
0x5a: {  	_ =	shalt  }
0x5b: {  	_ =	shalt  }
0x5c: {  	_ =	shalt  }
0x5d: {  	_ =	shalt  }
0x5e: {  	_ =	shalt  }
0x5f: {  	_ =	shalt  }
0x60: {  	_ =	shalt  }
0x61: {  	_ =	shalt  }
0x62: {  	_ =	shalt  }
0x63: {  	_ =	shalt  }
0x64: {  	_ =	shalt  }
0x65: {  	_ =	shalt  }
0x66: {  	_ =	shalt  }
0x67: {  	_ =	shalt  }
0x68: {  	_ =	shalt  }
0x69: {  	_ =	shalt  }
0x6a: {  	_ =	shalt  }
0x6b: {  	_ =	shalt  }
0x6c: {  	_ =	shalt  }
0x6d: {  	_ =	shalt  }
0x6e: {  	_ =	shalt  }
0x6f: {  	_ =	shalt  }
0x70: {  	_ =	shalt  }
0x71: {  	_ =	shalt  }
0x72: {  	_ =	shalt  }
0x73: {  	_ =	shalt  }
0x74: {  	_ =	shalt  }
0x75: {  	_ =	shalt  }
0x76: {  	_ =	shalt  }
0x77: {  	_ =	shalt  }
0x78: {  	_ =	shalt  }
0x79: {  	_ =	shalt  }
0x7a: {  	_ =	shalt  }
0x7b: {  	_ =	shalt  }
0x7c: {  	_ =	shalt  }
0x7d: {  	_ =	shalt  }
0x7e: {  	_ =	shalt  }
0x7f: {  	_ =	shalt  }
0x80: {  	_ =	shalt  }
0x81: {  	_ =	shalt  }
0x82: {  	_ =	shalt  }
0x83: {  	_ =	shalt  }
0x84: {  	_ =	shalt  }
0x85: {  	_ =	shalt  }
0x86: {  	_ =	shalt  }
0x87: {  	_ =	shalt  }
.Lfunc_end0:
.L_simem_size_0:
called_computation_lowered:
.L_overlay_start_0:
0x88: {  	s2 =	sld [smem:$0x3FD9]  }
0x89: {  	s3 =	sld [smem:$0x3FFE];
	_ =	sdelay $0x1  }
0x8a: {  	s1 =	srdreg.scid  }
0x8b: {  	s0 =	sand.u32 $0x1, s1  }
0x8c: {  	s17 =	sshll.u32 s0, $0xA;
	s2 =	sadd.s32 s3, s2  }
0x8d: {  	s2 =	sadd.s32 s2, s17  }
0x8e: {  	[smem:$0x3FC6] =	sst s2  }
0x8f: {  	_ = 	snop  }
0x90: {  	s2 =	sld [smem:$0x3FD0];
	(tm) =	ssettm $0x1  }
0x91: {  	s18 =	sld [smem:$0x3FFB];
	_ =	sdelay $0x3  }
0x92: {  	_ =	strace s18  }
0x93: {  	s3 =	sld [smem:$0x3FFC];
	_ =	sdelay $0x3  }
0x94: {  	_ =	strace s3  }
0x95: {  	s3 =	sld [smem:$0x3FFD];
	_ =	sdelay $0x3  }
0x96: {  	_ =	strace s3  }
0x97: {  	_ =	strace $0x8FFFFFFF  }
0x98: {  	s19 =	sld [smem:$0x3FDB];
	_ =	sdelay $0x1  }
0x99: {  	s4 =	simm.s32 $_scs_section_size  }
0x9a: {  	s5 =	simm.s32 $_size__tile_overlayer_lowered;
	s6 =	simm.s32 $_tile_overlayer_lowered  }
0x9b: {  	s22 =	simm.s32 $0x1BFF;
	s21 =	sshll.u32 s6, $0x1;
	s3 =	sadd.s32 s4, s19  }
0x9c: {  	s7 =	simm.s32 $0x0;
	s20 =	sshll.u32 s5, $0x1;
	s5 =	sadd.s32 s21, s3  }
0x9d: {  	[timem:s7], [sflag:s22] =	dma.local [hbm:s5], s20  }
0x9e: {  	_ =	swait.ge [sflag:s22], s20  }
0x9f: {  	s4 =	ssub.s32 $0x0, s20;
	[sflag:s22] =	ssyncset.done $0x0  }
0xa0: {  	[sflag:s22] =	ssyncadd.s32 s4;
	_ =	sdelay $0x1  }
0xa1: {  	s23 =	simm.s32 $0x1B8B  }
0xa2: {  	_ =	swait.ge [sflag:s23], $0x1  }
0xa3: {  	[sflag:s23] =	ssyncset.done $0x0  }
0xa4: {  	s25 =	simm.s32 $0x1B8E;
	s24 =	sld [smem:$0x3FFE];
	[sflag:s23] =	ssyncadd.s32 $0xFFFFFFFF  }
0xa5: {  	s26 =	simm.s32 $execute0_lowered;
	[smem:$0x3FD2] =	sst s25  }
0xa6: {  	s5 =	sshll.u32 s26, $0x1;
	_ =	strace $0x80000046;
	[dreg:$0x1] =	wrdreg $0xFFFFFFFF  }
0xa7: {  	s28 =	simm.s32 $_size_execute0_lowered;
	s3 =	sadd.s32 s3, s5;
	[dreg:$0x0] =	wrdreg $0x0  }
0xa8: {  	s5 =	sshll.u32 s28, $0x1;
	[dreg:$0x2] =	wrdreg s3  }
0xa9: {  	[dreg:$0x3] =	wrdreg s5  }
0xaa: {  	[dreg:$0x4] =	wrdreg $0xC0  }
0xab: {  	_ =	task [dreg:s7], $0x5FFFF  }
0xac: {  	[dreg:$0x1] =	wrdreg $0xFFFFFFFF  }
0xad: {  	[dreg:$0x0] =	wrdreg $0x60  }
0xae: {  	[dreg:$0x2] =	wrdreg s24  }
0xaf: {  	[dreg:$0x3] =	wrdreg s2  }
0xb0: {  	[dreg:$0x4] =	wrdreg $0x9  }
0xb1: {  	_ =	task.clear_ibuf [dreg:s7], $0x5FFFF;
	_ =	strace $0x90000046  }
0xb2: {  	s29 =	simm.s32 $0x9;
	_ =	strace $0x80000048  }
0xb3: {  	_ =	swait.ge [sflag:s29], $0x1  }
0xb4: {  	[sflag:s29] =	ssyncadd.s32 $0xFFFFFFFF  }
0xb5: {  	_ =	strace $0x90000048  }
0xb6: {  	_ =	sfence  }
0xb7: {  	s30 =	sld [smem:$0x0];
	_ =	sdelay $0x2  }
0xb8: {  	s31 =	sshll.u32 s1, $0xD;
	s1 =	sshrl.u32 s1, $0x2  }
0xb9: {  	s3 =	sand.u32 $0x4000, s31;
	s1 =	sadd.s32 s1, s30  }
0xba: {  	s0 =	sor.u32 s3, s0;
	s1 =	sshll.u32 s1, $0x11  }
0xbb: {  	s0 =	sor.u32 s1, s0  }
0xbc: {  	s0 =	sadd.s32 $0x8F2B, s0  }
0xbd: {  	[sflag:s0] =	ssyncadd.remote.s32 $0x1  }
0xbe: {  	_ =	sfence.sel $0xFFFF  }
0xbf: {  	[dreg:$0x0] =	wrdreg $0xFFFFFFFF;
	(pc) =	sbr.abs _section_cstart, $3  }
0xc0: {  	[dreg:$0x1] =	wrdreg $0xFFFFFFFF  }
0xc1: {  	_ =	task.clear_ibuf [dreg:s7], $0x2FFFF;
	_ =	strace $0x9FFFFFFF  }
0xc2: {  	(tm) =	ssettm $0x7FFFFFFF  }
0xc3: {  	_ =	shalt  }
tec
execute0_lowered:
.L_overlay_start_1:
0x0: {  	(tag) =	ssettag $0x1  }
0x1: {  	s1 =	stileid.u32  }
0x2: {  	p0 =	sgt.u32 s1, $0x7  }
.Ltmp0:
0x3: {  	_ = 	snop;
	(pc) =	sbr.rel @p0 .LBB2_5-.Ltmp0, $4  }
0x4: {  	s3 =	rddreg [dreg:$0x0]  }
0x5: {  	s4 =	rddreg [dreg:$0x1];
	s2 =	simm.s32 $0x0  }
0x6: {  	[smem:$0x7FF] =	sst s2  }
0x7: {  	s0 =	rddreg [dreg:$0x2];
	_ =	strace $0x80000047  }
0x8: {  	v0 =	vimm.s32 $0x65432100;
	v1 =	vimm.s32 $0xEDCBA987  }
0x9: {  	v2 =	vimm.s32 $0x54321000;
	v3 =	vimm.s32 $0xDCBA9876;
	v4 =	vimm.s32 $0xBA987654  }
0xa: {  	v5 =	vimm.s32 $0x32100000;
	v6 =	vimm.s32 $0xE40000;
	v0 =	vunpack.c.l.s4.s8 v0  }
0xb: {  	v1 =	vunpack.c.l.s4.s8 v1;
	v2 =	vunpack.c.l.s4.s8 v2;
	v3 =	vunpack.c.l.s4.s8 v3  }
0xc: {  	v4 =	vunpack.c.l.s4.s8 v4;
	v5 =	vunpack.c.l.s4.s8 v5;
	v6 =	vunpack.c.l.s2.s4 v6  }
0xd: {  	v0 =	vunpack.c.0.s8.s32 v0;
	v1 =	vunpack.c.0.s8.s32 v1;
	v3 =	vunpack.c.0.s8.s32 v3  }
0xe: {  	s5 =	srdreg.scid;
	s6 =	sshll.u32 s1, $0x5;
	v2 =	vunpack.c.0.s8.s32 v2;
	v4 =	vunpack.c.0.s8.s32 v4;
	v5 =	vunpack.c.0.s8.s32 v5  }
0xf: {  	s7 =	sshll.u32 s1, $0x9;
	s31 =	sadd.s32 $0x600, s3;
	s5 =	sand.u32 $0x1, s5;
	v6 =	vunpack.c.l.s4.s8 v6;
	v1 =	vand.u32 $0xF, v1;
	v3 =	vand.u32 $0xF, v3  }
0x10: {  	s9 =	simm.s32 $0x800;
	s6 =	sand.u32 $0x60, s6;
	s8 =	sshll.u32 s5, $0x4;
	v0 =	vcombine.low v0, v1;
	v1 =	vcombine.low v2, v3;
	v2 =	vand.u32 $0xF, v4  }
0x11: {  	s7 =	sand.u32 $0x800, s7;
	s5 =	ssub.s32 $0x2, s5;
	s6 =	sor.u32 s8, s6;
	v4 =	vimm.s32 $0x7060504;
	v2 =	vcombine.low v5, v2;
	v5 =	vunpack.c.0.s8.s32 v6  }
0x12: {  	vm0 =	vmmov $0x3;
	vm1 =	vmmov $0xf;
	s30 =	sshrl.u32 s5, $0x1;
	s8 =	simm.s32 $0x1;
	s6 =	sor.u32 s7, s6;
	v4 =	vunpack.c.0.s8.s32 v4  }
0x13: {  	vm2 =	vcmask $0x3F30;
	s5 =	ssub.s32 s5, s30;
	s7 =	simm.s32 $0x400;
	s3 =	sadd.s32 s4, s6;
	v3 =	vlaneseq.u32;
	v5 =	vand.u32 $0x3, v5  }
0x14: {  	s4 =	sadd.s32 s31, s6;
	s5 =	smax.u32 s5, $0x1;
	s6 =	simm.s32 $0x80;
	v4 =	vsel vm2, v4, v5;
	vm2 =	vmmov $0xff;
	v5 =	vimm.s32 $0xF  }
.LBB2_2:
0x15: {  	s10 =	simm.s32 $0x0  }
0x16: {  	[tilespmem:s10], [sflag:$0x1] =	stream.strided.gather [hbm4b:s4+s6], $0x800, s7, s6, $0x38;
	[tilespmem:$0x1000] =	vst v63  }
0x17: {  	_ =	swait.ge [sflag:s8], $0x800  }
0x18: {  	[sflag:s8] =	ssyncset.done $0x0  }
0x19: {  	s10 =	simm.s32 $0x0;
	[sflag:s8] =	ssyncadd.s32 $0xFFFFF800  }
0x1a: {  	v6 =	vld [tilespmem:s10+$0x0];
	_ =	sdelay $0x4  }
0x1b: {  	v7 =	vperm.xlane v6, v0  }
0x1c: {  	vm3 =	veq.s32 v3, $0x0  }
0x1d: {  	v7 =	vsel vm3, $0xE4, v7  }
0x1e: {  	v8 =	vshll.u32 v7, $0x1  }
0x1f: {  	v9 =	vshrl.u32 v7, $0x5;
	v10 =	vshrl.u32 v7, $0x1;
	v7 =	vshrl.u32 v7, $0x3  }
0x20: {  	v8 =	vand.u32 $0x6, v8;
	v9 =	vand.u32 $0x6, v9;
	v10 =	vand.u32 $0x6, v10  }
0x21: {  	v7 =	vand.u32 $0x6, v7;
	v9 =	vshra.s32 v6, v9;
	v10 =	vshra.s32 v6, v10  }
0x22: {  	v8 =	vshra.s32 v6, v8;
	v6 =	vshra.s32 v6, v7;
	v7 =	vshll.u32 v10, $0x2  }
0x23: {  	v8 =	vand.u32 $0x3, v8;
	v6 =	vshll.u32 v6, $0x4;
	v7 =	vand.u32 $0xC, v7  }
0x24: {  	s11 =	simm.s32 $0x10;
	v6 =	vand.u32 $0x30, v6;
	v7 =	vor.u32 v8, v7;
	v8 =	vshll.u32 v9, $0x6  }
0x25: {  	v6 =	vor.u32 v6, v7;
	v7 =	vand.u32 $0xC0, v8;
	v8 =	vld [tilespmem:s11+$0x0]  }
0x26: {  	v6 =	vor.u32 v7, v6  }
0x27: {  	v7 =	vperm.xlane v6, v1;
	_ =	sdelay $0x1  }
0x28: {  	v7 =	vsel vm0, $0xE4, v7  }
0x29: {  	v9 =	vperm.xlane v8, v0;
	v10 =	vshll.u32 v7, $0x1  }
0x2a: {  	v11 =	vshrl.u32 v7, $0x5;
	v12 =	vshrl.u32 v7, $0x1;
	v7 =	vshrl.u32 v7, $0x3  }
0x2b: {  	v10 =	vand.u32 $0x6, v10;
	v12 =	vand.u32 $0x6, v12;
	v11 =	vand.u32 $0x6, v11  }
0x2c: {  	v7 =	vand.u32 $0x6, v7;
	v12 =	vshrl.u32 v6, v12;
	v11 =	vshrl.u32 v6, v11  }
0x2d: {  	v10 =	vshrl.u32 v6, v10;
	v6 =	vshrl.u32 v6, v7;
	v12 =	vshll.u32 v12, $0x2  }
0x2e: {  	v7 =	vand.u32 $0x3, v10;
	v6 =	vshll.u32 v6, $0x4;
	v10 =	vand.u32 $0xC, v12  }
0x2f: {  	v6 =	vand.u32 $0x30, v6;
	v7 =	vor.u32 v7, v10;
	v10 =	vshll.u32 v11, $0x6  }
0x30: {  	v9 =	vsel vm3, $0xE4, v9;
	v6 =	vor.u32 v6, v7;
	v7 =	vand.u32 $0xC0, v10  }
0x31: {  	v11 =	vshrl.u32 v9, $0x5;
	v10 =	vshll.u32 v9, $0x1;
	v6 =	vor.u32 v7, v6  }
0x32: {  	v11 =	vand.u32 $0x6, v11;
	v7 =	vshrl.u32 v9, $0x1;
	v12 =	vperm.xlane v6, v2  }
0x33: {  	v9 =	vshrl.u32 v9, $0x3;
	v10 =	vand.u32 $0x6, v10;
	v11 =	vshra.s32 v8, v11  }
0x34: {  	v9 =	vand.u32 $0x6, v9;
	v7 =	vand.u32 $0x6, v7;
	v12 =	vsel vm1, $0xE4, v12  }
0x35: {  	v10 =	vshra.s32 v8, v10;
	v9 =	vshra.s32 v8, v9;
	v13 =	vshrl.u32 v12, $0x5  }
0x36: {  	v14 =	vshll.u32 v12, $0x1;
	v15 =	vshrl.u32 v12, $0x1;
	v12 =	vshrl.u32 v12, $0x3  }
0x37: {  	v14 =	vand.u32 $0x6, v14;
	v15 =	vand.u32 $0x6, v15;
	v13 =	vand.u32 $0x6, v13  }
0x38: {  	v12 =	vand.u32 $0x6, v12;
	v15 =	vshrl.u32 v6, v15;
	v13 =	vshrl.u32 v6, v13  }
0x39: {  	v14 =	vshrl.u32 v6, v14;
	v6 =	vshrl.u32 v6, v12;
	v15 =	vshll.u32 v15, $0x2  }
0x3a: {  	v12 =	vand.u32 $0x3, v14;
	v6 =	vshll.u32 v6, $0x4;
	v14 =	vand.u32 $0xC, v15  }
0x3b: {  	v13 =	vshll.u32 v13, $0x6;
	v6 =	vand.u32 $0x30, v6;
	v12 =	vor.u32 v12, v14  }
0x3c: {  	v7 =	vshra.s32 v8, v7;
	v8 =	vand.u32 $0xC0, v13;
	v6 =	vor.u32 v6, v12  }
0x3d: {  	v10 =	vand.u32 $0x3, v10;
	v7 =	vshll.u32 v7, $0x2;
	v6 =	vor.u32 v8, v6  }
0x3e: {  	v7 =	vand.u32 $0xC, v7;
	v8 =	vshll.u32 v9, $0x4;
	v9 =	vperm.xlane v6, v4  }
0x3f: {  	v7 =	vor.u32 v10, v7;
	v10 =	vshll.u32 v11, $0x6;
	v8 =	vand.u32 $0x30, v8  }
0x40: {  	v7 =	vor.u32 v8, v7;
	v8 =	vand.u32 $0xC0, v10;
	v9 =	vsel vm2, $0xE4, v9  }
0x41: {  	v10 =	vimm.s32 $0x1;
	v11 =	vor.u32 v8, v7;
	v7 =	vshrl.u32 v9, $0x5  }
0x42: {  	v8 =	vshll.u32 v9, $0x1;
	v12 =	vshrl.u32 v9, $0x1;
	v9 =	vshrl.u32 v9, $0x3  }
0x43: {  	v13 =	vand.u32 $0x6, v8;
	v8 =	vand.u32 $0x6, v12;
	v7 =	vand.u32 $0x6, v7  }
0x44: {  	s12 =	simm.s32 $0x20;
	v9 =	vand.u32 $0x6, v9;
	v12 =	vshrl.u32 v6, v8;
	v7 =	vshrl.u32 v6, v7  }
0x45: {  	v8 =	vld [tilespmem:s12+$0x0];
	v13 =	vshrl.u32 v6, v13;
	v6 =	vshrl.u32 v6, v9;
	v12 =	vshll.u32 v12, $0x2  }
0x46: {  	v9 =	vand.u32 $0x3, v13;
	v6 =	vshll.u32 v6, $0x4;
	v12 =	vand.u32 $0xC, v12  }
0x47: {  	v7 =	vshll.u32 v7, $0x6;
	v6 =	vand.u32 $0x30, v6;
	v9 =	vor.u32 v9, v12  }
0x48: {  	v7 =	vand.u32 $0xC0, v7;
	v12 =	vperm.xlane v11, v1;
	v6 =	vor.u32 v6, v9  }
0x49: {  	v6 =	vor.u32 v7, v6;
	v7 =	vshll.u32 v10, $0x1  }
0x4a: {  	v9 =	vperm.xlane v8, v0;
	v10 =	vsel vm0, $0xE4, v12;
	v6 =	vshrl.u32 v6, v7  }
0x4b: {  	v12 =	vshll.u32 v10, $0x1;
	v13 =	vshrl.u32 v10, $0x5;
	v14 =	vshrl.u32 v10, $0x1  }
0x4c: {  	v10 =	vshrl.u32 v10, $0x3;
	v7 =	vand.u32 $0x3, v6;
	v12 =	vand.u32 $0x6, v12  }
0x4d: {  	v14 =	vand.u32 $0x6, v14;
	v13 =	vand.u32 $0x6, v13;
	v10 =	vand.u32 $0x6, v10  }
0x4e: {  	v9 =	vsel vm3, $0xE4, v9;
	v14 =	vshrl.u32 v11, v14;
	v13 =	vshrl.u32 v11, v13  }
0x4f: {  	v12 =	vshrl.u32 v11, v12;
	v10 =	vshrl.u32 v11, v10;
	v14 =	vshll.u32 v14, $0x2  }
0x50: {  	v11 =	vand.u32 $0x3, v12;
	v10 =	vshll.u32 v10, $0x4;
	v12 =	vand.u32 $0xC, v14  }
0x51: {  	v10 =	vand.u32 $0x30, v10;
	v11 =	vor.u32 v11, v12;
	v12 =	vshll.u32 v13, $0x6  }
0x52: {  	v7 =	vperm.xlane v7, v5;
	v10 =	vor.u32 v10, v11;
	v11 =	vand.u32 $0xC0, v12  }
0x53: {  	v13 =	vshrl.u32 v9, $0x5;
	v12 =	vshll.u32 v9, $0x1;
	v14 =	vor.u32 v11, v10  }
0x54: {  	v10 =	vshrl.u32 v9, $0x1;
	v9 =	vshrl.u32 v9, $0x3;
	v11 =	vperm.xlane v14, v2  }
0x55: {  	v15 =	vand.u32 $0x6, v12;
	v16 =	vand.u32 $0x6, v9;
	v9 =	vand.u32 $0x6, v13  }
0x56: {  	v12 =	vand.u32 $0x6, v10;
	v9 =	vshra.s32 v8, v9;
	v13 =	vsel vm1, $0xE4, v11  }
0x57: {  	v10 =	vshra.s32 v8, v16;
	v11 =	vshra.s32 v8, v15;
	v15 =	vshrl.u32 v13, $0x5  }
0x58: {  	v16 =	vshll.u32 v13, $0x1;
	v17 =	vshrl.u32 v13, $0x1;
	v13 =	vshrl.u32 v13, $0x3  }
0x59: {  	v16 =	vand.u32 $0x6, v16;
	v17 =	vand.u32 $0x6, v17;
	v15 =	vand.u32 $0x6, v15  }
0x5a: {  	v18 =	vand.u32 $0x6, v13;
	v17 =	vshrl.u32 v14, v17;
	v13 =	vshrl.u32 v14, v15  }
0x5b: {  	v15 =	vshrl.u32 v14, v16;
	v16 =	vshll.u32 v17, $0x2;
	v17 =	vshrl.u32 v14, v18  }
0x5c: {  	s13 =	simm.s32 $0xC0;
	v14 =	vand.u32 $0x3, v15;
	v15 =	vand.u32 $0xC, v16;
	v16 =	vshll.u32 v17, $0x4  }
.LBB2_3:
0x5d: {  	p0 =	sne.s32 s13, $0x1FC0;
	v14 =	vor.u32 v14, v15;
	v15 =	vand.u32 $0x30, v16;
	v13 =	vshll.u32 v13, $0x6  }
0x5e: {  	v8 =	vshra.s32 v8, v12;
	v12 =	vor.u32 v15, v14;
	v13 =	vand.u32 $0xC0, v13  }
0x5f: {  	v11 =	vand.u32 $0x3, v11;
	v8 =	vshll.u32 v8, $0x2;
	v12 =	vor.u32 v13, v12  }
0x60: {  	v10 =	vshll.u32 v10, $0x4;
	v8 =	vand.u32 $0xC, v8;
	v13 =	vperm.xlane v12, v4  }
0x61: {  	v9 =	vshll.u32 v9, $0x6;
	v10 =	vand.u32 $0x30, v10;
	v8 =	vor.u32 v11, v8  }
0x62: {  	v9 =	vand.u32 $0xC0, v9;
	v8 =	vor.u32 v10, v8;
	v10 =	vsel vm2, $0xE4, v13  }
0x63: {  	v6 =	vand.u32 $0x1, v6;
	v9 =	vor.u32 v9, v8;
	v8 =	vshrl.u32 v10, $0x5  }
0x64: {  	v11 =	vshll.u32 v10, $0x1;
	v13 =	vshrl.u32 v10, $0x1;
	v10 =	vshrl.u32 v10, $0x3;
	[tilespmem:s10+$0x800] =	vst v6;
	s10 =	smov.u32 s11;
	s11 =	smov.u32 s12  }
0x65: {  	v6 =	vand.u32 $0x6, v11;
	v11 =	vand.u32 $0x6, v13;
	v8 =	vand.u32 $0x6, v8  }
0x66: {  	s12 =	sshra.s32 s13, $0x2;
	v10 =	vand.u32 $0x6, v10;
	v11 =	vshrl.u32 v12, v11;
	v13 =	vshrl.u32 v12, v8  }
0x67: {  	v6 =	vshrl.u32 v12, v6;
	v10 =	vshrl.u32 v12, v10;
	v11 =	vshll.u32 v11, $0x2;
	v8 =	vld [tilespmem:s12+$0x0]  }
0x68: {  	v6 =	vand.u32 $0x3, v6;
	v10 =	vshll.u32 v10, $0x4;
	v11 =	vand.u32 $0xC, v11  }
0x69: {  	v10 =	vand.u32 $0x30, v10;
	v6 =	vor.u32 v6, v11;
	v11 =	vshll.u32 v13, $0x6  }
0x6a: {  	v12 =	vperm.xlane v9, v1;
	v6 =	vor.u32 v10, v6;
	v10 =	vand.u32 $0xC0, v11  }
0x6b: {  	v7 =	vshll.u32 v7, $0x1;
	v6 =	vor.u32 v10, v6  }
0x6c: {  	v11 =	vsel vm0, $0xE4, v12;
	v6 =	vshrl.u32 v6, v7;
	v10 =	vperm.xlane v8, v0  }
0x6d: {  	v12 =	vshll.u32 v11, $0x1;
	v13 =	vshrl.u32 v11, $0x5;
	v7 =	vand.u32 $0x3, v6  }
0x6e: {  	v14 =	vshrl.u32 v11, $0x1;
	v11 =	vshrl.u32 v11, $0x3;
	v7 =	vperm.xlane v7, v5  }
0x6f: {  	v12 =	vand.u32 $0x6, v12;
	v14 =	vand.u32 $0x6, v14;
	v13 =	vand.u32 $0x6, v13  }
0x70: {  	v11 =	vand.u32 $0x6, v11;
	v14 =	vshrl.u32 v9, v14;
	v13 =	vshrl.u32 v9, v13  }
0x71: {  	v12 =	vshrl.u32 v9, v12;
	v9 =	vshrl.u32 v9, v11;
	v14 =	vshll.u32 v14, $0x2  }
0x72: {  	v11 =	vand.u32 $0x3, v12;
	v9 =	vshll.u32 v9, $0x4;
	v12 =	vand.u32 $0xC, v14  }
0x73: {  	v9 =	vand.u32 $0x30, v9;
	v11 =	vor.u32 v11, v12;
	v12 =	vshll.u32 v13, $0x6  }
0x74: {  	v10 =	vsel vm3, $0xE4, v10;
	v9 =	vor.u32 v9, v11;
	v11 =	vand.u32 $0xC0, v12  }
0x75: {  	v13 =	vshrl.u32 v10, $0x5;
	v12 =	vshll.u32 v10, $0x1;
	v14 =	vor.u32 v11, v9  }
0x76: {  	v9 =	vshrl.u32 v10, $0x1;
	v10 =	vshrl.u32 v10, $0x3;
	v11 =	vperm.xlane v14, v2  }
0x77: {  	v13 =	vand.u32 $0x6, v13;
	v15 =	vand.u32 $0x6, v12;
	v10 =	vand.u32 $0x6, v10  }
0x78: {  	v12 =	vand.u32 $0x6, v9;
	v9 =	vshra.s32 v8, v13;
	v13 =	vsel vm1, $0xE4, v11  }
0x79: {  	v10 =	vshra.s32 v8, v10;
	v11 =	vshra.s32 v8, v15;
	v15 =	vshrl.u32 v13, $0x5  }
.Ltmp1:
0x7a: {  	v16 =	vshll.u32 v13, $0x1;
	v17 =	vshrl.u32 v13, $0x1;
	v13 =	vshrl.u32 v13, $0x3;
	(pc) =	sbr.rel @p0 .LBB2_3-.Ltmp1, $4  }
0x7b: {  	v16 =	vand.u32 $0x6, v16;
	v17 =	vand.u32 $0x6, v17;
	v15 =	vand.u32 $0x6, v15  }
0x7c: {  	v18 =	vand.u32 $0x6, v13;
	v17 =	vshrl.u32 v14, v17;
	v13 =	vshrl.u32 v14, v15  }
0x7d: {  	v15 =	vshrl.u32 v14, v16;
	v16 =	vshll.u32 v17, $0x2;
	v17 =	vshrl.u32 v14, v18  }
0x7e: {  	s13 =	sadd.s32 $0x40, s13;
	v14 =	vand.u32 $0x3, v15;
	v15 =	vand.u32 $0xC, v16;
	v16 =	vshll.u32 v17, $0x4  }
0x7f: {  	v14 =	vor.u32 v14, v15;
	v38 =	vand.u32 $0x30, v16  }
0x80: {  	v13 =	vshll.u32 v13, $0x6;
	v8 =	vshra.s32 v8, v12;
	v11 =	vand.u32 $0x3, v11  }
0x81: {  	v10 =	vshll.u32 v10, $0x4;
	v9 =	vshll.u32 v9, $0x6;
	v8 =	vshll.u32 v8, $0x2  }
0x82: {  	v39 =	vor.u32 v38, v14;
	v13 =	vand.u32 $0xC0, v13;
	v8 =	vand.u32 $0xC, v8  }
0x83: {  	v10 =	vand.u32 $0x30, v10;
	v40 =	vor.u32 v13, v39;
	v8 =	vor.u32 v11, v8  }
0x84: {  	v9 =	vand.u32 $0xC0, v9;
	v41 =	vperm.xlane v40, v4;
	v8 =	vor.u32 v10, v8  }
0x85: {  	v8 =	vor.u32 v9, v8  }
0x86: {  	v10 =	vsel vm2, $0xE4, v41;
	v9 =	vperm.xlane v8, v1  }
0x87: {  	v42 =	vshrl.u32 v10, $0x5;
	v43 =	vshll.u32 v10, $0x1  }
0x88: {  	v47 =	vshrl.u32 v10, $0x1;
	v10 =	vshrl.u32 v10, $0x3;
	v9 =	vsel vm0, $0xE4, v9  }
0x89: {  	v13 =	vand.u32 $0x6, v43;
	v12 =	vand.u32 $0x6, v42;
	v44 =	vshll.u32 v9, $0x1  }
0x8a: {  	v45 =	vshrl.u32 v9, $0x1;
	v46 =	vshrl.u32 v9, $0x5;
	v9 =	vshrl.u32 v9, $0x3  }
0x8b: {  	v15 =	vand.u32 $0x6, v45;
	v14 =	vand.u32 $0x6, v44;
	v16 =	vand.u32 $0x6, v46  }
0x8c: {  	v9 =	vand.u32 $0x6, v9;
	v15 =	vshrl.u32 v8, v15;
	v16 =	vshrl.u32 v8, v16  }
0x8d: {  	v14 =	vshrl.u32 v8, v14;
	v8 =	vshrl.u32 v8, v9;
	v15 =	vshll.u32 v15, $0x2  }
0x8e: {  	v14 =	vand.u32 $0x3, v14;
	v8 =	vshll.u32 v8, $0x4;
	v15 =	vand.u32 $0xC, v15  }
0x8f: {  	v48 =	vshll.u32 v16, $0x6;
	v8 =	vand.u32 $0x30, v8;
	v14 =	vor.u32 v14, v15  }
0x90: {  	v10 =	vand.u32 $0x6, v10;
	v49 =	vand.u32 $0xC0, v48;
	v8 =	vor.u32 v8, v14  }
0x91: {  	v12 =	vshrl.u32 v40, v12;
	v13 =	vshrl.u32 v40, v13;
	v8 =	vor.u32 v49, v8  }
0x92: {  	v10 =	vshrl.u32 v40, v10;
	v9 =	vand.u32 $0x6, v47;
	v14 =	vperm.xlane v8, v2  }
0x93: {  	v50 =	vand.u32 $0x3, v13;
	v10 =	vshll.u32 v10, $0x4;
	v9 =	vshrl.u32 v40, v9  }
0x94: {  	v12 =	vshll.u32 v12, $0x6;
	v9 =	vshll.u32 v9, $0x2;
	v51 =	vsel vm1, $0xE4, v14  }
0x95: {  	v10 =	vand.u32 $0x30, v10;
	v9 =	vand.u32 $0xC, v9;
	v52 =	vshrl.u32 v51, $0x5  }
0x96: {  	v14 =	vshll.u32 v51, $0x1;
	v53 =	vshrl.u32 v51, $0x1;
	v13 =	vshrl.u32 v51, $0x3  }
0x97: {  	v14 =	vand.u32 $0x6, v14;
	v15 =	vand.u32 $0x6, v53;
	v11 =	vand.u32 $0x6, v52  }
0x98: {  	v13 =	vand.u32 $0x6, v13;
	v15 =	vshrl.u32 v8, v15;
	v11 =	vshrl.u32 v8, v11  }
0x99: {  	v14 =	vshrl.u32 v8, v14;
	v8 =	vshrl.u32 v8, v13;
	v15 =	vshll.u32 v15, $0x2  }
0x9a: {  	v54 =	vand.u32 $0x3, v14;
	v8 =	vshll.u32 v8, $0x4;
	v55 =	vand.u32 $0xC, v15  }
0x9b: {  	v11 =	vshll.u32 v11, $0x6;
	v8 =	vand.u32 $0x30, v8;
	v13 =	vor.u32 v54, v55  }
0x9c: {  	v9 =	vor.u32 v50, v9;
	v11 =	vand.u32 $0xC0, v11;
	v8 =	vor.u32 v8, v13  }
0x9d: {  	v56 =	vand.u32 $0xC0, v12;
	v9 =	vor.u32 v10, v9;
	v8 =	vor.u32 v11, v8  }
0x9e: {  	v7 =	vshll.u32 v7, $0x1;
	v9 =	vor.u32 v56, v9;
	v57 =	vperm.xlane v8, v4  }
0x9f: {  	v7 =	vshrl.u32 v9, v7  }
0xa0: {  	v9 =	vand.u32 $0x3, v7;
	v10 =	vsel vm2, $0xE4, v57  }
0xa1: {  	v9 =	vperm.xlane v9, v5;
	v58 =	vshrl.u32 v10, $0x5  }
0xa2: {  	v59 =	vshll.u32 v10, $0x1;
	v60 =	vshrl.u32 v10, $0x1;
	v10 =	vshrl.u32 v10, $0x3  }
0xa3: {  	v12 =	vand.u32 $0x6, v59;
	v13 =	vand.u32 $0x6, v60;
	v11 =	vand.u32 $0x6, v58  }
0xa4: {  	v10 =	vand.u32 $0x6, v10;
	v13 =	vshrl.u32 v8, v13;
	v11 =	vshrl.u32 v8, v11  }
0xa5: {  	v12 =	vshrl.u32 v8, v12;
	v8 =	vshrl.u32 v8, v10;
	v13 =	vshll.u32 v13, $0x2  }
0xa6: {  	v61 =	vand.u32 $0x3, v12;
	v8 =	vshll.u32 v8, $0x4;
	v62 =	vand.u32 $0xC, v13  }
0xa7: {  	v11 =	vshll.u32 v11, $0x6;
	v8 =	vand.u32 $0x30, v8;
	v10 =	vor.u32 v61, v62  }
0xa8: {  	v63 =	vand.u32 $0xC0, v11;
	v8 =	vor.u32 v8, v10  }
0xa9: {  	v6 =	vand.u32 $0x1, v6;
	v9 =	vshll.u32 v9, $0x1;
	v8 =	vor.u32 v63, v8  }
0xaa: {  	s2 =	sadd.s32 $0x1, s2;
	[tilespmem:s10+$0x800] =	vst v6;
	v6 =	vand.u32 $0x1, v7;
	v7 =	vshrl.u32 v8, v9  }
0xab: {  	p0 =	sne.s32 s2, s5;
	[tilespmem:s11+$0x800] =	vst v6;
	v6 =	vand.u32 $0x1, v7  }
.Ltmp2:
0xac: {  	[tilespmem:s12+$0x800] =	vst v6;
	(pc) =	sbr.rel @p0 .LBB2_2-.Ltmp2, $4  }
0xad: {  	[hbm4b:s3+s6] =	stream.strided.scatter [tilespmem:s9], [sflag:$0x1], $0x800, s7, s6, $0x38;
	[tilespmem:$0x1000] =	vst v63  }
0xae: {  	_ =	swait.ge [sflag:s8], $0x800  }
0xaf: {  	[sflag:s8] =	ssyncset.done $0x0  }
0xb0: {  	[sflag:s8] =	ssyncadd.s32 $0xFFFFF800  }
.LBB2_5:
0xb1: {  	_ =	sfence.sel $0x180000  }
0xb2: {  	[bflag:$0x0] =	sbarrier.arrive $0xFFFF  }
0xb3: {  	p0 =	sne.s32 s1, $0x0;
	_ =	strace $0x90000047  }
0xb4: {  	s0 =	sadd.s32 @!p0 $0x100000, s0;
	[bflag:$0x2] =	sbarrier.arrive $0xFFFF  }
0xb5: {  	[sflag:s0] =	ssyncadd.tile.s32 @!p0 $0x1;
	_ =	shalt  }
.Lfunc_end2:
_tile_overlayer_lowered:
.L_overlay_start_2:
0xb6: {  	(tag) =	ssettag $0x2  }
0xb7: {  	s0 =	rddreg [dreg:$0x0];
	s2 =	stileid.u32  }
0xb8: {  	s1 =	rddreg [dreg:$0x1];
	p0 =	sne.s32 s2, $0x0  }
0xb9: {  	s3 =	rddreg [dreg:$0x2];
	[bflag:$0x3] =	sbarrier.arrive $0xFFFF;
	s2 =	simm.s32 @!p0 $0x1C01  }
0xba: {  	[timem:s3], [sflag:s2] =	dma.local @!p0 [hbm:s0], s1  }
0xbb: {  	s0 =	simm.s32 @!p0 $0x1  }
0xbc: {  	_ =	swait.ge @!p0 [sflag:s0], s1  }
0xbd: {  	s1 =	ssub.s32 @!p0 $0x0, s1;
	[sflag:s0] =	ssyncset.done @!p0 $0x0  }
0xbe: {  	[sflag:s0] =	ssyncadd.s32 @!p0 s1  }
0xbf: {  	[bflag:$0x3] =	sbarrier.arrive $0xFFFF  }
0xc0: {  	_ =	shalt  }

</sc_bundles>
